<compile_context>
chip_gen: v7x
topology: tpu7x:2x2x1
jax: 0.10.2.dev20260603
libtpu: 0.0.44.dev20260713+nightly
codegen_flags: <defaults>
</compile_context>

<pallas_src>
import functools
import math

import jax
import jax.numpy as jnp
from jax import lax
from jax.experimental import pallas as pl
from jax.experimental.pallas import tpu as pltpu
from jax.experimental.pallas import tpu_sc as plsc

N_TOK = 4096
VOCAB = 32000
BT = 128
VC = 16000
NG = VC // 128
T_BLOCKS = N_TOK // BT
V_CHUNKS = VOCAB // VC

MIN_TOKENS_RATIO = 0.25
WARMUP_STEPS = 1000
THRESHOLD_SENSITIVITY = 0.5
STEP_COUNT = 0

_BIG_NEG = -3.4e38

_SC_WORKERS = 32
_PER_W = N_TOK // _SC_WORKERS


def _stats_kernel(x_ref, base_ref, lse_ref, conf_ref,
                  m1_ref, m2_ref, s_ref, t_ref):
    j = pl.program_id(1)

    @pl.when(j == 0)
    def _init():
        m1_ref[...] = jnp.full((BT, 128), _BIG_NEG, jnp.float32)
        m2_ref[...] = jnp.full((BT, 128), _BIG_NEG, jnp.float32)
        s_ref[...] = jnp.zeros((BT, 128), jnp.float32)
        t_ref[...] = jnp.zeros((BT, 128), jnp.float32)

    m1 = m1_ref[...]
    m2 = m2_ref[...]
    m1_old = m1
    for g in range(NG):
        v = x_ref[:, g * 128:(g + 1) * 128]
        m2 = jnp.maximum(m2, jnp.minimum(m1, v))
        m1 = jnp.maximum(m1, v)
    m1_ref[...] = m1
    m2_ref[...] = m2

    alpha = jnp.exp(m1_old - m1)
    s = s_ref[...] * alpha
    t = t_ref[...] * alpha

    for g in range(NG):
        v = x_ref[:, g * 128:(g + 1) * 128]
        e = jnp.exp(v - m1)
        s = s + e
        t = t + e * v
    s_ref[...] = s
    t_ref[...] = t

    @pl.when(j == V_CHUNKS - 1)
    def _finalize():
        m1g = jnp.max(m1, axis=1, keepdims=True)
        ism = m1 == m1g
        cnt = jnp.sum(ism.astype(jnp.float32), axis=1, keepdims=True)
        sec1 = jnp.max(jnp.where(ism, _BIG_NEG, m1), axis=1, keepdims=True)
        sec1 = jnp.where(cnt > 1.0, m1g, sec1)
        m2g = jnp.maximum(jnp.max(m2, axis=1, keepdims=True), sec1)
        beta = jnp.exp(m1 - m1g)
        sg = jnp.sum(s * beta, axis=1, keepdims=True)
        tt = jnp.sum(t * beta, axis=1, keepdims=True)
        lse = m1g + jnp.log(sg)
        entropy = lse - tt / sg
        confv = jnp.exp(m1g - lse)
        p2 = jnp.exp(m2g - lse)
        base = entropy / math.log(float(VOCAB)) + (1.0 - (confv - p2)) + lse
        base_ref[0, 0, :] = base[:, 0]
        lse_ref[0, 0, :] = lse[:, 0]
        conf_ref[0, 0, :] = confv[:, 0]


def _make_target_gather():
    mesh = plsc.VectorSubcoreMesh(core_axis_name="c", subcore_axis_name="s")

    @functools.partial(
        pl.kernel, mesh=mesh,
        out_type=jax.ShapeDtypeStruct((N_TOK,), jnp.float32),
        scratch_types=[
            pltpu.VMEM((_PER_W,), jnp.int32),
            pltpu.VMEM((_PER_W,), jnp.float32),
            pltpu.SemaphoreType.DMA,
        ],
    )
    def _gather(table_hbm, idx_hbm, out_hbm, idx_v, val_v, sem):
        wid = lax.axis_index("s") * 2 + lax.axis_index("c")
        base = wid * _PER_W
        pltpu.sync_copy(idx_hbm.at[pl.ds(base, _PER_W)], idx_v)
        pltpu.async_copy(table_hbm.at[idx_v], val_v, sem).wait()
        pltpu.sync_copy(val_v, out_hbm.at[pl.ds(base, _PER_W)])

    return _gather


_target_gather = _make_target_gather()


def _mask_loss_kernel(base_row_ref, base_col_ref, lse_col_ref,
                      tgl_row_ref, tgl_col_ref, conf_ref, out_ref):
    conf = conf_ref[...]
    avg_conf = jnp.sum(conf) / float(N_TOK)
    progress = min(1.0, STEP_COUNT / max(1, WARMUP_STEPS))
    base_ratio = 1.0 - progress * (1.0 - MIN_TOKENS_RATIO)
    ratio = jnp.clip(
        base_ratio * (1.0 + THRESHOLD_SENSITIVITY * (1.0 - 2.0 * avg_conf)),
        0.05, 1.0)
    k = jnp.maximum(1, jnp.floor(ratio * float(N_TOK)).astype(jnp.int32))
    kf = k.astype(jnp.float32)

    d_row = base_row_ref[...] - tgl_row_ref[...]
    RB = 512
    total = jnp.zeros((1, 1), jnp.float32)
    for b in range(N_TOK // RB):
        sl = pl.ds(b * RB, RB)
        db = base_col_ref[sl, :] - tgl_col_ref[sl, :]
        nb = lse_col_ref[sl, :] - tgl_col_ref[sl, :]
        gt = (d_row > db).astype(jnp.float32)
        jj = jax.lax.broadcasted_iota(jnp.int32, (RB, N_TOK), 1)
        ii = jax.lax.broadcasted_iota(jnp.int32, (RB, N_TOK), 0) + b * RB
        tie = jnp.logical_and(d_row == db, jj < ii).astype(jnp.float32)
        rank = jnp.sum(gt + tie, axis=1, keepdims=True)
        sel = (rank < kf).astype(jnp.float32)
        total = total + jnp.sum(nb * sel, axis=0, keepdims=True)
    out_ref[...] = total / jnp.maximum(kf, 1.0)


@functools.partial(jax.jit, static_argnames=())
def kernel(logits, targets):
    lf = logits.reshape(N_TOK, VOCAB)
    tgt = targets.reshape(N_TOK).astype(jnp.int32)

    flat_idx = jnp.arange(N_TOK, dtype=jnp.int32) * VOCAB + tgt
    tgl = _target_gather(lf.reshape(N_TOK * VOCAB), flat_idx)

    base, lse, conf = pl.pallas_call(
        _stats_kernel,
        grid=(T_BLOCKS, V_CHUNKS),
        in_specs=[
            pl.BlockSpec((BT, VC), lambda i, j: (i, j)),
        ],
        out_specs=[
            pl.BlockSpec((1, 1, BT), lambda i, j: (i, 0, 0)),
            pl.BlockSpec((1, 1, BT), lambda i, j: (i, 0, 0)),
            pl.BlockSpec((1, 1, BT), lambda i, j: (i, 0, 0)),
        ],
        out_shape=[
            jax.ShapeDtypeStruct((T_BLOCKS, 1, BT), jnp.float32),
            jax.ShapeDtypeStruct((T_BLOCKS, 1, BT), jnp.float32),
            jax.ShapeDtypeStruct((T_BLOCKS, 1, BT), jnp.float32),
        ],
        scratch_shapes=[pltpu.VMEM((BT, 128), jnp.float32) for _ in range(4)],
    )(lf)

    loss = pl.pallas_call(
        _mask_loss_kernel,
        out_shape=jax.ShapeDtypeStruct((1, 1), jnp.float32),
    )(base.reshape(1, N_TOK), base.reshape(N_TOK, 1), lse.reshape(N_TOK, 1),
      tgl.reshape(1, N_TOK), tgl.reshape(N_TOK, 1), conf.reshape(1, N_TOK))
    return loss.reshape(())

# --- scband reference (transcript-rebuilt; emitter-appended) ---
"""Pipeline reference for scband-cggrloss-25383256720133 (READ-ONLY COPY).

The authoritative reference and input builder live on the scoring server;
editing this copy changes nothing except your own understanding.
"""

import jax, jax.numpy as jnp
import numpy as np

MIN_TOKENS_RATIO = 0.25
WARMUP_STEPS = 1000
THRESHOLD_SENSITIVITY = 0.5
STEP_COUNT = 0


def setup_inputs(seed: int = 0) -> dict:
    key = jax.random.key(seed)
    k1, k2 = jax.random.split(key)
    logits = jax.random.normal(k1, (2, 2048, 32000), dtype=jnp.float32)
    targets = jax.random.randint(k2, (2, 2048), 0, 32000, dtype=jnp.int64)
    return {"logits": logits, "targets": targets}


def _cross_entropy(logits_flat, targets_flat):
    logp = jax.nn.log_softmax(logits_flat, axis=-1)
    return -jnp.take_along_axis(logp, targets_flat[:, None], axis=-1)[:, 0]


def reference(logits, targets):
    vocab = logits.shape[-1]
    lf = logits.reshape(-1, vocab)
    tf = targets.reshape(-1)
    n_tok = lf.shape[0]
    per_token_loss = _cross_entropy(lf, tf)
    # ---- no-grad difficulty scoring (scoring='combined') ----
    lf_sg = jax.lax.stop_gradient(lf)
    logp = jax.nn.log_softmax(lf_sg, axis=-1)
    p = jnp.exp(logp)
    entropy = -jnp.sum(p * logp, axis=-1)
    top2, _ = jax.lax.top_k(p, 2)
    confidence = top2[:, 0]
    margin = top2[:, 0] - top2[:, 1]
    nll = jax.lax.stop_gradient(per_token_loss)
    difficulty = entropy / jnp.log(float(vocab)) + (1.0 - margin) + nll
    # ---- warmup schedule (step_count buffer = 0) ----
    progress = min(1.0, STEP_COUNT / max(1, WARMUP_STEPS))
    base_ratio = 1.0 - progress * (1.0 - MIN_TOKENS_RATIO)
    # ---- dynamic threshold from batch confidence ----
    avg_conf = jnp.mean(confidence)
    current_ratio = jnp.clip(base_ratio * (1.0 + THRESHOLD_SENSITIVITY * (1.0 - 2.0 * avg_conf)), 0.05, 1.0)
    k = jnp.maximum(1, jnp.floor(current_ratio * n_tok).astype(jnp.int32))
    # ---- top-k hardest-token mask (selection='topk') ----
    order = jnp.argsort(-difficulty)
    mask = jnp.zeros((n_tok,), dtype=jnp.float32).at[order].set(
        (jnp.arange(n_tok) < k).astype(jnp.float32)
    )
    mask = jax.lax.stop_gradient(mask)
    masked_loss = per_token_loss * mask
    loss = masked_loss.sum() / jnp.maximum(k, 1).astype(jnp.float32)
    return loss

if __name__ == "__main__":
    import jax
    _d = setup_inputs()
    print(jax.jit(kernel)(*tuple(_d.values())))

</pallas_src>

<mosaic_0001>
#map = affine_map<(d0, d1) -> (0)>
module attributes {stable_mosaic.version = 14 : i64} {
  func.func @_gather(%arg0: i32, %arg1: i32, %arg2: memref<131072000xf32, #tpu.memory_space<hbm>>, %arg3: memref<4096xi32, #tpu.memory_space<hbm>>, %arg4: memref<4096xf32, #tpu.memory_space<hbm>>, %arg5: memref<128xi32, #tpu.memory_space<vmem>>, %arg6: memref<128xf32, #tpu.memory_space<vmem>>, %arg7: memref<!tpu.dma_semaphore, #tpu.memory_space<semaphore_mem>>) attributes {dimension_semantics = [#tpu.dimension_semantics<core_parallel>, #tpu.dimension_semantics<subcore_parallel>], iteration_bounds = array<i64: 2, 16>, scalar_prefetch = 0 : i64, scratch_operands = 3 : i64, tpu.core_type = #tpu.core_type<sc_vector_subcore>, window_params = [{transform_indices = #map}, {transform_indices = #map}, {transform_indices = #map}]} {
    %mul3A = arith.constant 2 : i32
    %mul3A_0 = arith.muli %arg1, %mul3A : i32
    %add3A = arith.addi %mul3A_0, %arg0 : i32
    %mul3A_1 = arith.constant 128 : i32
    %mul3A_2 = arith.muli %add3A, %mul3A_1 : i32
    "tpu.region"() ({
      %run_scoped3A = tpu.sem_alloc : memref<!tpu.dma_semaphore, #tpu.memory_space<semaphore_mem>>
      %dma_start3A_5 = tpu.memref_slice %arg3[%mul3A_2] : memref<4096xi32, #tpu.memory_space<hbm>> -> memref<128xi32, #tpu.memory_space<hbm>>
      %dma_start3A_6 = tpu.memref_slice %arg3[%mul3A_2] : memref<4096xi32, #tpu.memory_space<hbm>> -> memref<128xi32, #tpu.memory_space<hbm>>
      tpu.enqueue_dma source(%dma_start3A_6 : memref<128xi32, #tpu.memory_space<hbm>>) target(%arg5 : memref<128xi32, #tpu.memory_space<vmem>>) target_semaphore(%run_scoped3A : memref<!tpu.dma_semaphore, #tpu.memory_space<semaphore_mem>>)
      %dma_wait3A_7 = tpu.memref_slice %arg3[%mul3A_2] : memref<4096xi32, #tpu.memory_space<hbm>> -> memref<128xi32, #tpu.memory_space<hbm>>
      %dma_wait3A_8 = tpu.memref_slice %arg3[%mul3A_2] : memref<4096xi32, #tpu.memory_space<hbm>> -> memref<128xi32, #tpu.memory_space<hbm>>
      tpu.wait_dma2 semaphore(%run_scoped3A : memref<!tpu.dma_semaphore, #tpu.memory_space<semaphore_mem>>) src(%dma_wait3A_8 : memref<128xi32, #tpu.memory_space<hbm>>) dst(%arg5 : memref<128xi32, #tpu.memory_space<vmem>>)
      tpu.yield
    }) : () -> ()
    %dma_start3A = arith.constant 0 : i32
    %dma_start3A_3 = tpu.memref_slice %arg2[%dma_start3A] : memref<131072000xf32, #tpu.memory_space<hbm>> -> memref<131072000xf32, #tpu.memory_space<hbm>>
    tpu.enqueue_indirect_dma source(%dma_start3A_3 : memref<131072000xf32, #tpu.memory_space<hbm>>) target(%arg6 : memref<128xf32, #tpu.memory_space<vmem>>) offsets(%arg5 : memref<128xi32, #tpu.memory_space<vmem>>) semaphore(%arg7 : memref<!tpu.dma_semaphore, #tpu.memory_space<semaphore_mem>>)
    %dma_wait3A = arith.constant 0 : i32
    %dma_wait3A_4 = tpu.memref_slice %arg2[%dma_wait3A] : memref<131072000xf32, #tpu.memory_space<hbm>> -> memref<131072000xf32, #tpu.memory_space<hbm>>
    tpu.wait_indirect_dma semaphore(%arg7 : memref<!tpu.dma_semaphore, #tpu.memory_space<semaphore_mem>>) src(%dma_wait3A_4 : memref<131072000xf32, #tpu.memory_space<hbm>>) dst(%arg6 : memref<128xf32, #tpu.memory_space<vmem>>)
    "tpu.region"() ({
      %run_scoped3A = tpu.sem_alloc : memref<!tpu.dma_semaphore, #tpu.memory_space<semaphore_mem>>
      %dma_start3A_5 = tpu.memref_slice %arg4[%mul3A_2] : memref<4096xf32, #tpu.memory_space<hbm>> -> memref<128xf32, #tpu.memory_space<hbm>>
      %dma_start3A_6 = tpu.memref_slice %arg4[%mul3A_2] : memref<4096xf32, #tpu.memory_space<hbm>> -> memref<128xf32, #tpu.memory_space<hbm>>
      tpu.enqueue_dma source(%arg6 : memref<128xf32, #tpu.memory_space<vmem>>) target(%dma_start3A_6 : memref<128xf32, #tpu.memory_space<hbm>>) target_semaphore(%run_scoped3A : memref<!tpu.dma_semaphore, #tpu.memory_space<semaphore_mem>>)
      %dma_wait3A_7 = tpu.memref_slice %arg4[%mul3A_2] : memref<4096xf32, #tpu.memory_space<hbm>> -> memref<128xf32, #tpu.memory_space<hbm>>
      %dma_wait3A_8 = tpu.memref_slice %arg4[%mul3A_2] : memref<4096xf32, #tpu.memory_space<hbm>> -> memref<128xf32, #tpu.memory_space<hbm>>
      tpu.wait_dma2 semaphore(%run_scoped3A : memref<!tpu.dma_semaphore, #tpu.memory_space<semaphore_mem>>) src(%arg6 : memref<128xf32, #tpu.memory_space<vmem>>) dst(%dma_wait3A_8 : memref<128xf32, #tpu.memory_space<hbm>>)
      tpu.yield
    }) : () -> ()
    return
  }
}

module attributes {stable_mosaic.version = 14 : i64} {
  func.func @_mask_loss_kernel(%arg0: memref<1x4096xf32, #tpu.memory_space<vmem>>, %arg1: memref<4096x1xf32, #tpu.memory_space<vmem>>, %arg2: memref<4096x1xf32, #tpu.memory_space<vmem>>, %arg3: memref<1x4096xf32, #tpu.memory_space<vmem>>, %arg4: memref<4096x1xf32, #tpu.memory_space<vmem>>, %arg5: memref<1x4096xf32, #tpu.memory_space<vmem>>, %arg6: memref<1x1xf32, #tpu.memory_space<vmem>>) attributes {dimension_semantics = [], scalar_prefetch = 0 : i64, scratch_operands = 0 : i64, tpu.core_type = #tpu.core_type<tc>} {
    %get3A = arith.constant 0 : index
    %get3A_0 = arith.constant 0 : index
    %get3A_1 = vector.load %arg5[%get3A, %get3A_0] : memref<1x4096xf32, #tpu.memory_space<vmem>>, vector<1x4096xf32>
    %reduce_sum3A = vector.shape_cast %get3A_1 : vector<1x4096xf32> to vector<1x1x4096xf32>
    %reduce_sum3A_2 = arith.constant dense<0.000000e+00> : vector<1xf32>
    %reduce_sum3A_3 = vector.multi_reduction <add>, %reduce_sum3A, %reduce_sum3A_2 [1, 2] : vector<1x1x4096xf32> to vector<1xf32>
    %reduce_sum3A_4 = vector.shape_cast %reduce_sum3A_3 : vector<1xf32> to vector<1x1x1xf32>
    %reduce_sum3A_5 = vector.extract %reduce_sum3A_4[0, 0, 0] : f32 from vector<1x1x1xf32>
    %div3A = arith.constant 4.096000e+03 : f32
    %div3A_6 = arith.divf %reduce_sum3A_5, %div3A : f32
    %mul3A = arith.constant 2.000000e+00 : f32
    %mul3A_7 = arith.mulf %mul3A, %div3A_6 : f32
    %sub3A = arith.constant 1.000000e+00 : f32
    %sub3A_8 = arith.subf %sub3A, %mul3A_7 : f32
    %mul3A_9 = arith.constant 5.000000e-01 : f32
    %mul3A_10 = arith.mulf %mul3A_9, %sub3A_8 : f32
    %add3A = arith.constant 1.000000e+00 : f32
    %add3A_11 = arith.addf %add3A, %mul3A_10 : f32
    %mul3A_12 = arith.constant 1.000000e+00 : f32
    %mul3A_13 = arith.mulf %mul3A_12, %add3A_11 : f32
    %jit3A = arith.constant 5.000000e-02 : f32
    %jit3A_14 = arith.constant 1.000000e+00 : f32
    %max3A = arith.maximumf %jit3A, %mul3A_13 : f32
    %min3A = arith.minimumf %jit3A_14, %max3A : f32
    %mul3A_15 = arith.constant 4.096000e+03 : f32
    %mul3A_16 = arith.mulf %min3A, %mul3A_15 : f32
    %floor3A = math.floor %mul3A_16 : f32
    %convert_element_type3A = arith.fptosi %floor3A : f32 to i32
    %max3A_17 = arith.constant 1 : i32
    %max3A_18 = arith.maxsi %max3A_17, %convert_element_type3A : i32
    %convert_element_type3A_19 = arith.sitofp %max3A_18 : i32 to f32
    %get3A_20 = arith.constant 0 : index
    %get3A_21 = arith.constant 0 : index
    %get3A_22 = vector.load %arg0[%get3A_20, %get3A_21] : memref<1x4096xf32, #tpu.memory_space<vmem>>, vector<1x4096xf32>
    %get3A_23 = arith.constant 0 : index
    %get3A_24 = arith.constant 0 : index
    %get3A_25 = vector.load %arg3[%get3A_23, %get3A_24] : memref<1x4096xf32, #tpu.memory_space<vmem>>, vector<1x4096xf32>
    %sub3A_26 = arith.subf %get3A_22, %get3A_25 : vector<1x4096xf32>
    %broadcast_in_dim3A = arith.constant 0.000000e+00 : f32
    %broadcast_in_dim3A_27 = vector.broadcast %broadcast_in_dim3A : f32 to vector<1x1xf32>
    %get3A_28 = arith.constant 0 : index
    %get3A_29 = arith.constant 0 : index
    %get3A_30 = vector.load %arg1[%get3A_28, %get3A_29] : memref<4096x1xf32, #tpu.memory_space<vmem>>, vector<512x1xf32>
    %get3A_31 = arith.constant 0 : index
    %get3A_32 = arith.constant 0 : index
    %get3A_33 = vector.load %arg4[%get3A_31, %get3A_32] : memref<4096x1xf32, #tpu.memory_space<vmem>>, vector<512x1xf32>
    %sub3A_34 = arith.subf %get3A_30, %get3A_33 : vector<512x1xf32>
    %get3A_35 = arith.constant 0 : index
    %get3A_36 = arith.constant 0 : index
    %get3A_37 = vector.load %arg2[%get3A_35, %get3A_36] : memref<4096x1xf32, #tpu.memory_space<vmem>>, vector<512x1xf32>
    %get3A_38 = arith.constant 0 : index
    %get3A_39 = arith.constant 0 : index
    %get3A_40 = vector.load %arg4[%get3A_38, %get3A_39] : memref<4096x1xf32, #tpu.memory_space<vmem>>, vector<512x1xf32>
    %sub3A_41 = arith.subf %get3A_37, %get3A_40 : vector<512x1xf32>
    %gt3A = vector.broadcast %sub3A_26 : vector<1x4096xf32> to vector<512x4096xf32>
    %gt3A_42 = vector.broadcast %sub3A_34 : vector<512x1xf32> to vector<512x4096xf32>
    %gt3A_43 = arith.cmpf ogt, %gt3A, %gt3A_42 : vector<512x4096xf32>
    %convert_element_type3A_44 = arith.extui %gt3A_43 : vector<512x4096xi1> to vector<512x4096xi32>
    %convert_element_type3A_45 = arith.sitofp %convert_element_type3A_44 : vector<512x4096xi32> to vector<512x4096xf32>
    %iota3A = tpu.iota {dimensions = array<i32: 1>} : vector<512x4096xi32>
    %iota3A_46 = tpu.iota {dimensions = array<i32: 0>} : vector<512x4096xi32>
    %add3A_47 = arith.constant 0 : i32
    %add3A_48 = vector.broadcast %add3A_47 : i32 to vector<512x4096xi32>
    %add3A_49 = arith.addi %iota3A_46, %add3A_48 : vector<512x4096xi32>
    %eq3A = vector.broadcast %sub3A_26 : vector<1x4096xf32> to vector<512x4096xf32>
    %eq3A_50 = vector.broadcast %sub3A_34 : vector<512x1xf32> to vector<512x4096xf32>
    %eq3A_51 = arith.cmpf oeq, %eq3A, %eq3A_50 : vector<512x4096xf32>
    %lt3A = arith.cmpi slt, %iota3A, %add3A_49 : vector<512x4096xi32>
    %and3A = arith.andi %eq3A_51, %lt3A : vector<512x4096xi1>
    %convert_element_type3A_52 = arith.extui %and3A : vector<512x4096xi1> to vector<512x4096xi32>
    %convert_element_type3A_53 = arith.sitofp %convert_element_type3A_52 : vector<512x4096xi32> to vector<512x4096xf32>
    %add3A_54 = arith.addf %convert_element_type3A_45, %convert_element_type3A_53 : vector<512x4096xf32>
    %reduce_sum3A_55 = arith.constant dense<0.000000e+00> : vector<512xf32>
    %reduce_sum3A_56 = vector.multi_reduction <add>, %add3A_54, %reduce_sum3A_55 [1] : vector<512x4096xf32> to vector<512xf32>
    %broadcast_in_dim3A_57 = vector.shape_cast %reduce_sum3A_56 : vector<512xf32> to vector<512x1xf32>
    %lt3A_58 = vector.broadcast %convert_element_type3A_19 : f32 to vector<512x1xf32>
    %lt3A_59 = arith.cmpf olt, %broadcast_in_dim3A_57, %lt3A_58 : vector<512x1xf32>
    %convert_element_type3A_60 = arith.extui %lt3A_59 : vector<512x1xi1> to vector<512x1xi32>
    %convert_element_type3A_61 = arith.sitofp %convert_element_type3A_60 : vector<512x1xi32> to vector<512x1xf32>
    %mul3A_62 = arith.mulf %sub3A_41, %convert_element_type3A_61 : vector<512x1xf32>
    %reduce_sum3A_63 = arith.constant dense<0.000000e+00> : vector<1xf32>
    %reduce_sum3A_64 = vector.multi_reduction <add>, %mul3A_62, %reduce_sum3A_63 [0] : vector<512x1xf32> to vector<1xf32>
    %broadcast_in_dim3A_65 = vector.shape_cast %reduce_sum3A_64 : vector<1xf32> to vector<1x1xf32>
    %add3A_66 = arith.addf %broadcast_in_dim3A_27, %broadcast_in_dim3A_65 : vector<1x1xf32>
    %get3A_67 = arith.constant 512 : index
    %get3A_68 = arith.constant 0 : index
    %get3A_69 = vector.load %arg1[%get3A_67, %get3A_68] : memref<4096x1xf32, #tpu.memory_space<vmem>>, vector<512x1xf32>
    %get3A_70 = arith.constant 512 : index
    %get3A_71 = arith.constant 0 : index
    %get3A_72 = vector.load %arg4[%get3A_70, %get3A_71] : memref<4096x1xf32, #tpu.memory_space<vmem>>, vector<512x1xf32>
    %sub3A_73 = arith.subf %get3A_69, %get3A_72 : vector<512x1xf32>
    %get3A_74 = arith.constant 512 : index
    %get3A_75 = arith.constant 0 : index
    %get3A_76 = vector.load %arg2[%get3A_74, %get3A_75] : memref<4096x1xf32, #tpu.memory_space<vmem>>, vector<512x1xf32>
    %get3A_77 = arith.constant 512 : index
    %get3A_78 = arith.constant 0 : index
    %get3A_79 = vector.load %arg4[%get3A_77, %get3A_78] : memref<4096x1xf32, #tpu.memory_space<vmem>>, vector<512x1xf32>
    %sub3A_80 = arith.subf %get3A_76, %get3A_79 : vector<512x1xf32>
    %gt3A_81 = vector.broadcast %sub3A_26 : vector<1x4096xf32> to vector<512x4096xf32>
    %gt3A_82 = vector.broadcast %sub3A_73 : vector<512x1xf32> to vector<512x4096xf32>
    %gt3A_83 = arith.cmpf ogt, %gt3A_81, %gt3A_82 : vector<512x4096xf32>
    %convert_element_type3A_84 = arith.extui %gt3A_83 : vector<512x4096xi1> to vector<512x4096xi32>
    %convert_element_type3A_85 = arith.sitofp %convert_element_type3A_84 : vector<512x4096xi32> to vector<512x4096xf32>
    %iota3A_86 = tpu.iota {dimensions = array<i32: 1>} : vector<512x4096xi32>
    %iota3A_87 = tpu.iota {dimensions = array<i32: 0>} : vector<512x4096xi32>
    %add3A_88 = arith.constant 512 : i32
    %add3A_89 = vector.broadcast %add3A_88 : i32 to vector<512x4096xi32>
    %add3A_90 = arith.addi %iota3A_87, %add3A_89 : vector<512x4096xi32>
    %eq3A_91 = vector.broadcast %sub3A_26 : vector<1x4096xf32> to vector<512x4096xf32>
    %eq3A_92 = vector.broadcast %sub3A_73 : vector<512x1xf32> to vector<512x4096xf32>
    %eq3A_93 = arith.cmpf oeq, %eq3A_91, %eq3A_92 : vector<512x4096xf32>
    %lt3A_94 = arith.cmpi slt, %iota3A_86, %add3A_90 : vector<512x4096xi32>
    %and3A_95 = arith.andi %eq3A_93, %lt3A_94 : vector<512x4096xi1>
    %convert_element_type3A_96 = arith.extui %and3A_95 : vector<512x4096xi1> to vector<512x4096xi32>
    %convert_element_type3A_97 = arith.sitofp %convert_element_type3A_96 : vector<512x4096xi32> to vector<512x4096xf32>
    %add3A_98 = arith.addf %convert_element_type3A_85, %convert_element_type3A_97 : vector<512x4096xf32>
    %reduce_sum3A_99 = arith.constant dense<0.000000e+00> : vector<512xf32>
    %reduce_sum3A_100 = vector.multi_reduction <add>, %add3A_98, %reduce_sum3A_99 [1] : vector<512x4096xf32> to vector<512xf32>
    %broadcast_in_dim3A_101 = vector.shape_cast %reduce_sum3A_100 : vector<512xf32> to vector<512x1xf32>
    %lt3A_102 = vector.broadcast %convert_element_type3A_19 : f32 to vector<512x1xf32>
    %lt3A_103 = arith.cmpf olt, %broadcast_in_dim3A_101, %lt3A_102 : vector<512x1xf32>
    %convert_element_type3A_104 = arith.extui %lt3A_103 : vector<512x1xi1> to vector<512x1xi32>
    %convert_element_type3A_105 = arith.sitofp %convert_element_type3A_104 : vector<512x1xi32> to vector<512x1xf32>
    %mul3A_106 = arith.mulf %sub3A_80, %convert_element_type3A_105 : vector<512x1xf32>
    %reduce_sum3A_107 = arith.constant dense<0.000000e+00> : vector<1xf32>
    %reduce_sum3A_108 = vector.multi_reduction <add>, %mul3A_106, %reduce_sum3A_107 [0] : vector<512x1xf32> to vector<1xf32>
    %broadcast_in_dim3A_109 = vector.shape_cast %reduce_sum3A_108 : vector<1xf32> to vector<1x1xf32>
    %add3A_110 = arith.addf %add3A_66, %broadcast_in_dim3A_109 : vector<1x1xf32>
    %get3A_111 = arith.constant 1024 : index
    %get3A_112 = arith.constant 0 : index
    %get3A_113 = vector.load %arg1[%get3A_111, %get3A_112] : memref<4096x1xf32, #tpu.memory_space<vmem>>, vector<512x1xf32>
    %get3A_114 = arith.constant 1024 : index
    %get3A_115 = arith.constant 0 : index
    %get3A_116 = vector.load %arg4[%get3A_114, %get3A_115] : memref<4096x1xf32, #tpu.memory_space<vmem>>, vector<512x1xf32>
    %sub3A_117 = arith.subf %get3A_113, %get3A_116 : vector<512x1xf32>
    %get3A_118 = arith.constant 1024 : index
    %get3A_119 = arith.constant 0 : index
    %get3A_120 = vector.load %arg2[%get3A_118, %get3A_119] : memref<4096x1xf32, #tpu.memory_space<vmem>>, vector<512x1xf32>
    %get3A_121 = arith.constant 1024 : index
    %get3A_122 = arith.constant 0 : index
    %get3A_123 = vector.load %arg4[%get3A_121, %get3A_122] : memref<4096x1xf32, #tpu.memory_space<vmem>>, vector<512x1xf32>
    %sub3A_124 = arith.subf %get3A_120, %get3A_123 : vector<512x1xf32>
    %gt3A_125 = vector.broadcast %sub3A_26 : vector<1x4096xf32> to vector<512x4096xf32>
    %gt3A_126 = vector.broadcast %sub3A_117 : vector<512x1xf32> to vector<512x4096xf32>
    %gt3A_127 = arith.cmpf ogt, %gt3A_125, %gt3A_126 : vector<512x4096xf32>
    %convert_element_type3A_128 = arith.extui %gt3A_127 : vector<512x4096xi1> to vector<512x4096xi32>
    %convert_element_type3A_129 = arith.sitofp %convert_element_type3A_128 : vector<512x4096xi32> to vector<512x4096xf32>
    %iota3A_130 = tpu.iota {dimensions = array<i32: 1>} : vector<512x4096xi32>
    %iota3A_131 = tpu.iota {dimensions = array<i32: 0>} : vector<512x4096xi32>
    %add3A_132 = arith.constant 1024 : i32
    %add3A_133 = vector.broadcast %add3A_132 : i32 to vector<512x4096xi32>
    %add3A_134 = arith.addi %iota3A_131, %add3A_133 : vector<512x4096xi32>
    %eq3A_135 = vector.broadcast %sub3A_26 : vector<1x4096xf32> to vector<512x4096xf32>
    %eq3A_136 = vector.broadcast %sub3A_117 : vector<512x1xf32> to vector<512x4096xf32>
    %eq3A_137 = arith.cmpf oeq, %eq3A_135, %eq3A_136 : vector<512x4096xf32>
    %lt3A_138 = arith.cmpi slt, %iota3A_130, %add3A_134 : vector<512x4096xi32>
    %and3A_139 = arith.andi %eq3A_137, %lt3A_138 : vector<512x4096xi1>
    %convert_element_type3A_140 = arith.extui %and3A_139 : vector<512x4096xi1> to vector<512x4096xi32>
    %convert_element_type3A_141 = arith.sitofp %convert_element_type3A_140 : vector<512x4096xi32> to vector<512x4096xf32>
    %add3A_142 = arith.addf %convert_element_type3A_129, %convert_element_type3A_141 : vector<512x4096xf32>
    %reduce_sum3A_143 = arith.constant dense<0.000000e+00> : vector<512xf32>
    %reduce_sum3A_144 = vector.multi_reduction <add>, %add3A_142, %reduce_sum3A_143 [1] : vector<512x4096xf32> to vector<512xf32>
    %broadcast_in_dim3A_145 = vector.shape_cast %reduce_sum3A_144 : vector<512xf32> to vector<512x1xf32>
    %lt3A_146 = vector.broadcast %convert_element_type3A_19 : f32 to vector<512x1xf32>
    %lt3A_147 = arith.cmpf olt, %broadcast_in_dim3A_145, %lt3A_146 : vector<512x1xf32>
    %convert_element_type3A_148 = arith.extui %lt3A_147 : vector<512x1xi1> to vector<512x1xi32>
    %convert_element_type3A_149 = arith.sitofp %convert_element_type3A_148 : vector<512x1xi32> to vector<512x1xf32>
    %mul3A_150 = arith.mulf %sub3A_124, %convert_element_type3A_149 : vector<512x1xf32>
    %reduce_sum3A_151 = arith.constant dense<0.000000e+00> : vector<1xf32>
    %reduce_sum3A_152 = vector.multi_reduction <add>, %mul3A_150, %reduce_sum3A_151 [0] : vector<512x1xf32> to vector<1xf32>
    %broadcast_in_dim3A_153 = vector.shape_cast %reduce_sum3A_152 : vector<1xf32> to vector<1x1xf32>
    %add3A_154 = arith.addf %add3A_110, %broadcast_in_dim3A_153 : vector<1x1xf32>
    %get3A_155 = arith.constant 1536 : index
    %get3A_156 = arith.constant 0 : index
    %get3A_157 = vector.load %arg1[%get3A_155, %get3A_156] : memref<4096x1xf32, #tpu.memory_space<vmem>>, vector<512x1xf32>
    %get3A_158 = arith.constant 1536 : index
    %get3A_159 = arith.constant 0 : index
    %get3A_160 = vector.load %arg4[%get3A_158, %get3A_159] : memref<4096x1xf32, #tpu.memory_space<vmem>>, vector<512x1xf32>
    %sub3A_161 = arith.subf %get3A_157, %get3A_160 : vector<512x1xf32>
    %get3A_162 = arith.constant 1536 : index
    %get3A_163 = arith.constant 0 : index
    %get3A_164 = vector.load %arg2[%get3A_162, %get3A_163] : memref<4096x1xf32, #tpu.memory_space<vmem>>, vector<512x1xf32>
    %get3A_165 = arith.constant 1536 : index
    %get3A_166 = arith.constant 0 : index
    %get3A_167 = vector.load %arg4[%get3A_165, %get3A_166] : memref<4096x1xf32, #tpu.memory_space<vmem>>, vector<512x1xf32>
    %sub3A_168 = arith.subf %get3A_164, %get3A_167 : vector<512x1xf32>
    %gt3A_169 = vector.broadcast %sub3A_26 : vector<1x4096xf32> to vector<512x4096xf32>
    %gt3A_170 = vector.broadcast %sub3A_161 : vector<512x1xf32> to vector<512x4096xf32>
    %gt3A_171 = arith.cmpf ogt, %gt3A_169, %gt3A_170 : vector<512x4096xf32>
    %convert_element_type3A_172 = arith.extui %gt3A_171 : vector<512x4096xi1> to vector<512x4096xi32>
    %convert_element_type3A_173 = arith.sitofp %convert_element_type3A_172 : vector<512x4096xi32> to vector<512x4096xf32>
    %iota3A_174 = tpu.iota {dimensions = array<i32: 1>} : vector<512x4096xi32>
    %iota3A_175 = tpu.iota {dimensions = array<i32: 0>} : vector<512x4096xi32>
    %add3A_176 = arith.constant 1536 : i32
    %add3A_177 = vector.broadcast %add3A_176 : i32 to vector<512x4096xi32>
    %add3A_178 = arith.addi %iota3A_175, %add3A_177 : vector<512x4096xi32>
    %eq3A_179 = vector.broadcast %sub3A_26 : vector<1x4096xf32> to vector<512x4096xf32>
    %eq3A_180 = vector.broadcast %sub3A_161 : vector<512x1xf32> to vector<512x4096xf32>
    %eq3A_181 = arith.cmpf oeq, %eq3A_179, %eq3A_180 : vector<512x4096xf32>
    %lt3A_182 = arith.cmpi slt, %iota3A_174, %add3A_178 : vector<512x4096xi32>
    %and3A_183 = arith.andi %eq3A_181, %lt3A_182 : vector<512x4096xi1>
    %convert_element_type3A_184 = arith.extui %and3A_183 : vector<512x4096xi1> to vector<512x4096xi32>
    %convert_element_type3A_185 = arith.sitofp %convert_element_type3A_184 : vector<512x4096xi32> to vector<512x4096xf32>
    %add3A_186 = arith.addf %convert_element_type3A_173, %convert_element_type3A_185 : vector<512x4096xf32>
    %reduce_sum3A_187 = arith.constant dense<0.000000e+00> : vector<512xf32>
    %reduce_sum3A_188 = vector.multi_reduction <add>, %add3A_186, %reduce_sum3A_187 [1] : vector<512x4096xf32> to vector<512xf32>
    %broadcast_in_dim3A_189 = vector.shape_cast %reduce_sum3A_188 : vector<512xf32> to vector<512x1xf32>
    %lt3A_190 = vector.broadcast %convert_element_type3A_19 : f32 to vector<512x1xf32>
    %lt3A_191 = arith.cmpf olt, %broadcast_in_dim3A_189, %lt3A_190 : vector<512x1xf32>
    %convert_element_type3A_192 = arith.extui %lt3A_191 : vector<512x1xi1> to vector<512x1xi32>
    %convert_element_type3A_193 = arith.sitofp %convert_element_type3A_192 : vector<512x1xi32> to vector<512x1xf32>
    %mul3A_194 = arith.mulf %sub3A_168, %convert_element_type3A_193 : vector<512x1xf32>
    %reduce_sum3A_195 = arith.constant dense<0.000000e+00> : vector<1xf32>
    %reduce_sum3A_196 = vector.multi_reduction <add>, %mul3A_194, %reduce_sum3A_195 [0] : vector<512x1xf32> to vector<1xf32>
    %broadcast_in_dim3A_197 = vector.shape_cast %reduce_sum3A_196 : vector<1xf32> to vector<1x1xf32>
    %add3A_198 = arith.addf %add3A_154, %broadcast_in_dim3A_197 : vector<1x1xf32>
    %get3A_199 = arith.constant 2048 : index
    %get3A_200 = arith.constant 0 : index
    %get3A_201 = vector.load %arg1[%get3A_199, %get3A_200] : memref<4096x1xf32, #tpu.memory_space<vmem>>, vector<512x1xf32>
    %get3A_202 = arith.constant 2048 : index
    %get3A_203 = arith.constant 0 : index
    %get3A_204 = vector.load %arg4[%get3A_202, %get3A_203] : memref<4096x1xf32, #tpu.memory_space<vmem>>, vector<512x1xf32>
    %sub3A_205 = arith.subf %get3A_201, %get3A_204 : vector<512x1xf32>
    %get3A_206 = arith.constant 2048 : index
    %get3A_207 = arith.constant 0 : index
    %get3A_208 = vector.load %arg2[%get3A_206, %get3A_207] : memref<4096x1xf32, #tpu.memory_space<vmem>>, vector<512x1xf32>
    %get3A_209 = arith.constant 2048 : index
    %get3A_210 = arith.constant 0 : index
    %get3A_211 = vector.load %arg4[%get3A_209, %get3A_210] : memref<4096x1xf32, #tpu.memory_space<vmem>>, vector<512x1xf32>
    %sub3A_212 = arith.subf %get3A_208, %get3A_211 : vector<512x1xf32>
    %gt3A_213 = vector.broadcast %sub3A_26 : vector<1x4096xf32> to vector<512x4096xf32>
    %gt3A_214 = vector.broadcast %sub3A_205 : vector<512x1xf32> to vector<512x4096xf32>
    %gt3A_215 = arith.cmpf ogt, %gt3A_213, %gt3A_214 : vector<512x4096xf32>
    %convert_element_type3A_216 = arith.extui %gt3A_215 : vector<512x4096xi1> to vector<512x4096xi32>
    %convert_element_type3A_217 = arith.sitofp %convert_element_type3A_216 : vector<512x4096xi32> to vector<512x4096xf32>
    %iota3A_218 = tpu.iota {dimensions = array<i32: 1>} : vector<512x4096xi32>
    %iota3A_219 = tpu.iota {dimensions = array<i32: 0>} : vector<512x4096xi32>
    %add3A_220 = arith.constant 2048 : i32
    %add3A_221 = vector.broadcast %add3A_220 : i32 to vector<512x4096xi32>
    %add3A_222 = arith.addi %iota3A_219, %add3A_221 : vector<512x4096xi32>
    %eq3A_223 = vector.broadcast %sub3A_26 : vector<1x4096xf32> to vector<512x4096xf32>
    %eq3A_224 = vector.broadcast %sub3A_205 : vector<512x1xf32> to vector<512x4096xf32>
    %eq3A_225 = arith.cmpf oeq, %eq3A_223, %eq3A_224 : vector<512x4096xf32>
    %lt3A_226 = arith.cmpi slt, %iota3A_218, %add3A_222 : vector<512x4096xi32>
    %and3A_227 = arith.andi %eq3A_225, %lt3A_226 : vector<512x4096xi1>
    %convert_element_type3A_228 = arith.extui %and3A_227 : vector<512x4096xi1> to vector<512x4096xi32>
    %convert_element_type3A_229 = arith.sitofp %convert_element_type3A_228 : vector<512x4096xi32> to vector<512x4096xf32>
    %add3A_230 = arith.addf %convert_element_type3A_217, %convert_element_type3A_229 : vector<512x4096xf32>
    %reduce_sum3A_231 = arith.constant dense<0.000000e+00> : vector<512xf32>
    %reduce_sum3A_232 = vector.multi_reduction <add>, %add3A_230, %reduce_sum3A_231 [1] : vector<512x4096xf32> to vector<512xf32>
    %broadcast_in_dim3A_233 = vector.shape_cast %reduce_sum3A_232 : vector<512xf32> to vector<512x1xf32>
    %lt3A_234 = vector.broadcast %convert_element_type3A_19 : f32 to vector<512x1xf32>
    %lt3A_235 = arith.cmpf olt, %broadcast_in_dim3A_233, %lt3A_234 : vector<512x1xf32>
    %convert_element_type3A_236 = arith.extui %lt3A_235 : vector<512x1xi1> to vector<512x1xi32>
    %convert_element_type3A_237 = arith.sitofp %convert_element_type3A_236 : vector<512x1xi32> to vector<512x1xf32>
    %mul3A_238 = arith.mulf %sub3A_212, %convert_element_type3A_237 : vector<512x1xf32>
    %reduce_sum3A_239 = arith.constant dense<0.000000e+00> : vector<1xf32>
    %reduce_sum3A_240 = vector.multi_reduction <add>, %mul3A_238, %reduce_sum3A_239 [0] : vector<512x1xf32> to vector<1xf32>
    %broadcast_in_dim3A_241 = vector.shape_cast %reduce_sum3A_240 : vector<1xf32> to vector<1x1xf32>
    %add3A_242 = arith.addf %add3A_198, %broadcast_in_dim3A_241 : vector<1x1xf32>
    %get3A_243 = arith.constant 2560 : index
    %get3A_244 = arith.constant 0 : index
    %get3A_245 = vector.load %arg1[%get3A_243, %get3A_244] : memref<4096x1xf32, #tpu.memory_space<vmem>>, vector<512x1xf32>
    %get3A_246 = arith.constant 2560 : index
    %get3A_247 = arith.constant 0 : index
    %get3A_248 = vector.load %arg4[%get3A_246, %get3A_247] : memref<4096x1xf32, #tpu.memory_space<vmem>>, vector<512x1xf32>
    %sub3A_249 = arith.subf %get3A_245, %get3A_248 : vector<512x1xf32>
    %get3A_250 = arith.constant 2560 : index
    %get3A_251 = arith.constant 0 : index
    %get3A_252 = vector.load %arg2[%get3A_250, %get3A_251] : memref<4096x1xf32, #tpu.memory_space<vmem>>, vector<512x1xf32>
    %get3A_253 = arith.constant 2560 : index
    %get3A_254 = arith.constant 0 : index
    %get3A_255 = vector.load %arg4[%get3A_253, %get3A_254] : memref<4096x1xf32, #tpu.memory_space<vmem>>, vector<512x1xf32>
    %sub3A_256 = arith.subf %get3A_252, %get3A_255 : vector<512x1xf32>
    %gt3A_257 = vector.broadcast %sub3A_26 : vector<1x4096xf32> to vector<512x4096xf32>
    %gt3A_258 = vector.broadcast %sub3A_249 : vector<512x1xf32> to vector<512x4096xf32>
    %gt3A_259 = arith.cmpf ogt, %gt3A_257, %gt3A_258 : vector<512x4096xf32>
    %convert_element_type3A_260 = arith.extui %gt3A_259 : vector<512x4096xi1> to vector<512x4096xi32>
    %convert_element_type3A_261 = arith.sitofp %convert_element_type3A_260 : vector<512x4096xi32> to vector<512x4096xf32>
    %iota3A_262 = tpu.iota {dimensions = array<i32: 1>} : vector<512x4096xi32>
    %iota3A_263 = tpu.iota {dimensions = array<i32: 0>} : vector<512x4096xi32>
    %add3A_264 = arith.constant 2560 : i32
    %add3A_265 = vector.broadcast %add3A_264 : i32 to vector<512x4096xi32>
    %add3A_266 = arith.addi %iota3A_263, %add3A_265 : vector<512x4096xi32>
    %eq3A_267 = vector.broadcast %sub3A_26 : vector<1x4096xf32> to vector<512x4096xf32>
    %eq3A_268 = vector.broadcast %sub3A_249 : vector<512x1xf32> to vector<512x4096xf32>
    %eq3A_269 = arith.cmpf oeq, %eq3A_267, %eq3A_268 : vector<512x4096xf32>
    %lt3A_270 = arith.cmpi slt, %iota3A_262, %add3A_266 : vector<512x4096xi32>
    %and3A_271 = arith.andi %eq3A_269, %lt3A_270 : vector<512x4096xi1>
    %convert_element_type3A_272 = arith.extui %and3A_271 : vector<512x4096xi1> to vector<512x4096xi32>
    %convert_element_type3A_273 = arith.sitofp %convert_element_type3A_272 : vector<512x4096xi32> to vector<512x4096xf32>
    %add3A_274 = arith.addf %convert_element_type3A_261, %convert_element_type3A_273 : vector<512x4096xf32>
    %reduce_sum3A_275 = arith.constant dense<0.000000e+00> : vector<512xf32>
    %reduce_sum3A_276 = vector.multi_reduction <add>, %add3A_274, %reduce_sum3A_275 [1] : vector<512x4096xf32> to vector<512xf32>
    %broadcast_in_dim3A_277 = vector.shape_cast %reduce_sum3A_276 : vector<512xf32> to vector<512x1xf32>
    %lt3A_278 = vector.broadcast %convert_element_type3A_19 : f32 to vector<512x1xf32>
    %lt3A_279 = arith.cmpf olt, %broadcast_in_dim3A_277, %lt3A_278 : vector<512x1xf32>
    %convert_element_type3A_280 = arith.extui %lt3A_279 : vector<512x1xi1> to vector<512x1xi32>
    %convert_element_type3A_281 = arith.sitofp %convert_element_type3A_280 : vector<512x1xi32> to vector<512x1xf32>
    %mul3A_282 = arith.mulf %sub3A_256, %convert_element_type3A_281 : vector<512x1xf32>
    %reduce_sum3A_283 = arith.constant dense<0.000000e+00> : vector<1xf32>
    %reduce_sum3A_284 = vector.multi_reduction <add>, %mul3A_282, %reduce_sum3A_283 [0] : vector<512x1xf32> to vector<1xf32>
    %broadcast_in_dim3A_285 = vector.shape_cast %reduce_sum3A_284 : vector<1xf32> to vector<1x1xf32>
    %add3A_286 = arith.addf %add3A_242, %broadcast_in_dim3A_285 : vector<1x1xf32>
    %get3A_287 = arith.constant 3072 : index
    %get3A_288 = arith.constant 0 : index
    %get3A_289 = vector.load %arg1[%get3A_287, %get3A_288] : memref<4096x1xf32, #tpu.memory_space<vmem>>, vector<512x1xf32>
    %get3A_290 = arith.constant 3072 : index
    %get3A_291 = arith.constant 0 : index
    %get3A_292 = vector.load %arg4[%get3A_290, %get3A_291] : memref<4096x1xf32, #tpu.memory_space<vmem>>, vector<512x1xf32>
    %sub3A_293 = arith.subf %get3A_289, %get3A_292 : vector<512x1xf32>
    %get3A_294 = arith.constant 3072 : index
    %get3A_295 = arith.constant 0 : index
    %get3A_296 = vector.load %arg2[%get3A_294, %get3A_295] : memref<4096x1xf32, #tpu.memory_space<vmem>>, vector<512x1xf32>
    %get3A_297 = arith.constant 3072 : index
    %get3A_298 = arith.constant 0 : index
    %get3A_299 = vector.load %arg4[%get3A_297, %get3A_298] : memref<4096x1xf32, #tpu.memory_space<vmem>>, vector<512x1xf32>
    %sub3A_300 = arith.subf %get3A_296, %get3A_299 : vector<512x1xf32>
    %gt3A_301 = vector.broadcast %sub3A_26 : vector<1x4096xf32> to vector<512x4096xf32>
    %gt3A_302 = vector.broadcast %sub3A_293 : vector<512x1xf32> to vector<512x4096xf32>
    %gt3A_303 = arith.cmpf ogt, %gt3A_301, %gt3A_302 : vector<512x4096xf32>
    %convert_element_type3A_304 = arith.extui %gt3A_303 : vector<512x4096xi1> to vector<512x4096xi32>
    %convert_element_type3A_305 = arith.sitofp %convert_element_type3A_304 : vector<512x4096xi32> to vector<512x4096xf32>
    %iota3A_306 = tpu.iota {dimensions = array<i32: 1>} : vector<512x4096xi32>
    %iota3A_307 = tpu.iota {dimensions = array<i32: 0>} : vector<512x4096xi32>
    %add3A_308 = arith.constant 3072 : i32
    %add3A_309 = vector.broadcast %add3A_308 : i32 to vector<512x4096xi32>
    %add3A_310 = arith.addi %iota3A_307, %add3A_309 : vector<512x4096xi32>
    %eq3A_311 = vector.broadcast %sub3A_26 : vector<1x4096xf32> to vector<512x4096xf32>
    %eq3A_312 = vector.broadcast %sub3A_293 : vector<512x1xf32> to vector<512x4096xf32>
    %eq3A_313 = arith.cmpf oeq, %eq3A_311, %eq3A_312 : vector<512x4096xf32>
    %lt3A_314 = arith.cmpi slt, %iota3A_306, %add3A_310 : vector<512x4096xi32>
    %and3A_315 = arith.andi %eq3A_313, %lt3A_314 : vector<512x4096xi1>
    %convert_element_type3A_316 = arith.extui %and3A_315 : vector<512x4096xi1> to vector<512x4096xi32>
    %convert_element_type3A_317 = arith.sitofp %convert_element_type3A_316 : vector<512x4096xi32> to vector<512x4096xf32>
    %add3A_318 = arith.addf %convert_element_type3A_305, %convert_element_type3A_317 : vector<512x4096xf32>
    %reduce_sum3A_319 = arith.constant dense<0.000000e+00> : vector<512xf32>
    %reduce_sum3A_320 = vector.multi_reduction <add>, %add3A_318, %reduce_sum3A_319 [1] : vector<512x4096xf32> to vector<512xf32>
    %broadcast_in_dim3A_321 = vector.shape_cast %reduce_sum3A_320 : vector<512xf32> to vector<512x1xf32>
    %lt3A_322 = vector.broadcast %convert_element_type3A_19 : f32 to vector<512x1xf32>
    %lt3A_323 = arith.cmpf olt, %broadcast_in_dim3A_321, %lt3A_322 : vector<512x1xf32>
    %convert_element_type3A_324 = arith.extui %lt3A_323 : vector<512x1xi1> to vector<512x1xi32>
    %convert_element_type3A_325 = arith.sitofp %convert_element_type3A_324 : vector<512x1xi32> to vector<512x1xf32>
    %mul3A_326 = arith.mulf %sub3A_300, %convert_element_type3A_325 : vector<512x1xf32>
    %reduce_sum3A_327 = arith.constant dense<0.000000e+00> : vector<1xf32>
    %reduce_sum3A_328 = vector.multi_reduction <add>, %mul3A_326, %reduce_sum3A_327 [0] : vector<512x1xf32> to vector<1xf32>
    %broadcast_in_dim3A_329 = vector.shape_cast %reduce_sum3A_328 : vector<1xf32> to vector<1x1xf32>
    %add3A_330 = arith.addf %add3A_286, %broadcast_in_dim3A_329 : vector<1x1xf32>
    %get3A_331 = arith.constant 3584 : index
    %get3A_332 = arith.constant 0 : index
    %get3A_333 = vector.load %arg1[%get3A_331, %get3A_332] : memref<4096x1xf32, #tpu.memory_space<vmem>>, vector<512x1xf32>
    %get3A_334 = arith.constant 3584 : index
    %get3A_335 = arith.constant 0 : index
    %get3A_336 = vector.load %arg4[%get3A_334, %get3A_335] : memref<4096x1xf32, #tpu.memory_space<vmem>>, vector<512x1xf32>
    %sub3A_337 = arith.subf %get3A_333, %get3A_336 : vector<512x1xf32>
    %get3A_338 = arith.constant 3584 : index
    %get3A_339 = arith.constant 0 : index
    %get3A_340 = vector.load %arg2[%get3A_338, %get3A_339] : memref<4096x1xf32, #tpu.memory_space<vmem>>, vector<512x1xf32>
    %get3A_341 = arith.constant 3584 : index
    %get3A_342 = arith.constant 0 : index
    %get3A_343 = vector.load %arg4[%get3A_341, %get3A_342] : memref<4096x1xf32, #tpu.memory_space<vmem>>, vector<512x1xf32>
    %sub3A_344 = arith.subf %get3A_340, %get3A_343 : vector<512x1xf32>
    %gt3A_345 = vector.broadcast %sub3A_26 : vector<1x4096xf32> to vector<512x4096xf32>
    %gt3A_346 = vector.broadcast %sub3A_337 : vector<512x1xf32> to vector<512x4096xf32>
    %gt3A_347 = arith.cmpf ogt, %gt3A_345, %gt3A_346 : vector<512x4096xf32>
    %convert_element_type3A_348 = arith.extui %gt3A_347 : vector<512x4096xi1> to vector<512x4096xi32>
    %convert_element_type3A_349 = arith.sitofp %convert_element_type3A_348 : vector<512x4096xi32> to vector<512x4096xf32>
    %iota3A_350 = tpu.iota {dimensions = array<i32: 1>} : vector<512x4096xi32>
    %iota3A_351 = tpu.iota {dimensions = array<i32: 0>} : vector<512x4096xi32>
    %add3A_352 = arith.constant 3584 : i32
    %add3A_353 = vector.broadcast %add3A_352 : i32 to vector<512x4096xi32>
    %add3A_354 = arith.addi %iota3A_351, %add3A_353 : vector<512x4096xi32>
    %eq3A_355 = vector.broadcast %sub3A_26 : vector<1x4096xf32> to vector<512x4096xf32>
    %eq3A_356 = vector.broadcast %sub3A_337 : vector<512x1xf32> to vector<512x4096xf32>
    %eq3A_357 = arith.cmpf oeq, %eq3A_355, %eq3A_356 : vector<512x4096xf32>
    %lt3A_358 = arith.cmpi slt, %iota3A_350, %add3A_354 : vector<512x4096xi32>
    %and3A_359 = arith.andi %eq3A_357, %lt3A_358 : vector<512x4096xi1>
    %convert_element_type3A_360 = arith.extui %and3A_359 : vector<512x4096xi1> to vector<512x4096xi32>
    %convert_element_type3A_361 = arith.sitofp %convert_element_type3A_360 : vector<512x4096xi32> to vector<512x4096xf32>
    %add3A_362 = arith.addf %convert_element_type3A_349, %convert_element_type3A_361 : vector<512x4096xf32>
    %reduce_sum3A_363 = arith.constant dense<0.000000e+00> : vector<512xf32>
    %reduce_sum3A_364 = vector.multi_reduction <add>, %add3A_362, %reduce_sum3A_363 [1] : vector<512x4096xf32> to vector<512xf32>
    %broadcast_in_dim3A_365 = vector.shape_cast %reduce_sum3A_364 : vector<512xf32> to vector<512x1xf32>
    %lt3A_366 = vector.broadcast %convert_element_type3A_19 : f32 to vector<512x1xf32>
    %lt3A_367 = arith.cmpf olt, %broadcast_in_dim3A_365, %lt3A_366 : vector<512x1xf32>
    %convert_element_type3A_368 = arith.extui %lt3A_367 : vector<512x1xi1> to vector<512x1xi32>
    %convert_element_type3A_369 = arith.sitofp %convert_element_type3A_368 : vector<512x1xi32> to vector<512x1xf32>
    %mul3A_370 = arith.mulf %sub3A_344, %convert_element_type3A_369 : vector<512x1xf32>
    %reduce_sum3A_371 = arith.constant dense<0.000000e+00> : vector<1xf32>
    %reduce_sum3A_372 = vector.multi_reduction <add>, %mul3A_370, %reduce_sum3A_371 [0] : vector<512x1xf32> to vector<1xf32>
    %broadcast_in_dim3A_373 = vector.shape_cast %reduce_sum3A_372 : vector<1xf32> to vector<1x1xf32>
    %add3A_374 = arith.addf %add3A_330, %broadcast_in_dim3A_373 : vector<1x1xf32>
    %max3A_375 = arith.constant 1.000000e+00 : f32
    %max3A_376 = arith.maximumf %convert_element_type3A_19, %max3A_375 : f32
    %div3A_377 = vector.broadcast %max3A_376 : f32 to vector<1x1xf32>
    %div3A_378 = arith.divf %add3A_374, %div3A_377 : vector<1x1xf32>
    %swap3A = arith.constant 0 : index
    %swap3A_379 = arith.constant 0 : index
    %swap3A_380 = vector.load %arg6[%swap3A, %swap3A_379] : memref<1x1xf32, #tpu.memory_space<vmem>>, vector<1x1xf32>
    tpu.vector_store %arg6[%swap3A, %swap3A_379], %div3A_378 {strides = array<i32>} : memref<1x1xf32, #tpu.memory_space<vmem>>, vector<1x1xf32>,
    return
  }
}

module attributes {stable_mosaic.version = 14 : i64} {
  func.func @_stats_kernel(%arg0: i32, %arg1: i32, %arg2: memref<128x16000xf32, #tpu.memory_space<vmem>>, %arg3: memref<1x1x128xf32, #tpu.memory_space<vmem>>, %arg4: memref<1x1x128xf32, #tpu.memory_space<vmem>>, %arg5: memref<1x1x128xf32, #tpu.memory_space<vmem>>, %arg6: memref<128x128xf32, #tpu.memory_space<vmem>>, %arg7: memref<128x128xf32, #tpu.memory_space<vmem>>, %arg8: memref<128x128xf32, #tpu.memory_space<vmem>>, %arg9: memref<128x128xf32, #tpu.memory_space<vmem>>) attributes {dimension_semantics = [#tpu.dimension_semantics<arbitrary>, #tpu.dimension_semantics<arbitrary>], iteration_bounds = array<i64: 32, 2>, scalar_prefetch = 0 : i64, scratch_operands = 4 : i64, tpu.core_type = #tpu.core_type<tc>, window_params = [{transform_indices = @transform_0, window_bounds = array<i64: 128, 16000>}, {transform_indices = @transform_1, window_bounds = array<i64: 1, 1, 128>}, {transform_indices = @transform_2, window_bounds = array<i64: 1, 1, 128>}, {transform_indices = @transform_3, window_bounds = array<i64: 1, 1, 128>}]} {
    %eq3A = arith.constant 0 : i32
    %eq3A_0 = arith.cmpi eq, %arg1, %eq3A : i32
    %convert_element_type3A = arith.extui %eq3A_0 : i1 to i32
    %cond3A = arith.constant 0 : i32
    %cond3A_1 = arith.cmpi ne, %convert_element_type3A, %cond3A : i32
    scf.if %cond3A_1 {
      %broadcast_in_dim3A = arith.constant -3.400000e+38 : f32
      %broadcast_in_dim3A_1777 = vector.broadcast %broadcast_in_dim3A : f32 to vector<128x128xf32>
      %swap3A_1778 = arith.constant 0 : index
      %swap3A_1779 = arith.constant 0 : index
      %swap3A_1780 = vector.load %arg6[%swap3A_1778, %swap3A_1779] : memref<128x128xf32, #tpu.memory_space<vmem>>, vector<128x128xf32>
      tpu.vector_store %arg6[%swap3A_1778, %swap3A_1779], %broadcast_in_dim3A_1777 {strides = array<i32>} : memref<128x128xf32, #tpu.memory_space<vmem>>, vector<128x128xf32>,
      %broadcast_in_dim3A_1781 = arith.constant -3.400000e+38 : f32
      %broadcast_in_dim3A_1782 = vector.broadcast %broadcast_in_dim3A_1781 : f32 to vector<128x128xf32>
      %swap3A_1783 = arith.constant 0 : index
      %swap3A_1784 = arith.constant 0 : index
      %swap3A_1785 = vector.load %arg7[%swap3A_1783, %swap3A_1784] : memref<128x128xf32, #tpu.memory_space<vmem>>, vector<128x128xf32>
      tpu.vector_store %arg7[%swap3A_1783, %swap3A_1784], %broadcast_in_dim3A_1782 {strides = array<i32>} : memref<128x128xf32, #tpu.memory_space<vmem>>, vector<128x128xf32>,
      %broadcast_in_dim3A_1786 = arith.constant 0.000000e+00 : f32
      %broadcast_in_dim3A_1787 = vector.broadcast %broadcast_in_dim3A_1786 : f32 to vector<128x128xf32>
      %swap3A_1788 = arith.constant 0 : index
      %swap3A_1789 = arith.constant 0 : index
      %swap3A_1790 = vector.load %arg8[%swap3A_1788, %swap3A_1789] : memref<128x128xf32, #tpu.memory_space<vmem>>, vector<128x128xf32>
      tpu.vector_store %arg8[%swap3A_1788, %swap3A_1789], %broadcast_in_dim3A_1787 {strides = array<i32>} : memref<128x128xf32, #tpu.memory_space<vmem>>, vector<128x128xf32>,
      %broadcast_in_dim3A_1791 = arith.constant 0.000000e+00 : f32
      %broadcast_in_dim3A_1792 = vector.broadcast %broadcast_in_dim3A_1791 : f32 to vector<128x128xf32>
      %swap3A_1793 = arith.constant 0 : index
      %swap3A_1794 = arith.constant 0 : index
      %swap3A_1795 = vector.load %arg9[%swap3A_1793, %swap3A_1794] : memref<128x128xf32, #tpu.memory_space<vmem>>, vector<128x128xf32>
      tpu.vector_store %arg9[%swap3A_1793, %swap3A_1794], %broadcast_in_dim3A_1792 {strides = array<i32>} : memref<128x128xf32, #tpu.memory_space<vmem>>, vector<128x128xf32>,
    } else {
    }
    %get3A = arith.constant 0 : index
    %get3A_2 = arith.constant 0 : index
    %get3A_3 = vector.load %arg6[%get3A, %get3A_2] : memref<128x128xf32, #tpu.memory_space<vmem>>, vector<128x128xf32>
    %get3A_4 = arith.constant 0 : index
    %get3A_5 = arith.constant 0 : index
    %get3A_6 = vector.load %arg7[%get3A_4, %get3A_5] : memref<128x128xf32, #tpu.memory_space<vmem>>, vector<128x128xf32>
    %get3A_7 = arith.constant 0 : index
    %get3A_8 = arith.constant 0 : index
    %get3A_9 = vector.load %arg2[%get3A_7, %get3A_8] : memref<128x16000xf32, #tpu.memory_space<vmem>>, vector<128x128xf32>
    %min3A = arith.minimumf %get3A_3, %get3A_9 : vector<128x128xf32>
    %max3A = arith.maximumf %get3A_6, %min3A : vector<128x128xf32>
    %max3A_10 = arith.maximumf %get3A_3, %get3A_9 : vector<128x128xf32>
    %get3A_11 = arith.constant 0 : index
    %get3A_12 = arith.constant 128 : index
    %get3A_13 = vector.load %arg2[%get3A_11, %get3A_12] : memref<128x16000xf32, #tpu.memory_space<vmem>>, vector<128x128xf32>
    %min3A_14 = arith.minimumf %max3A_10, %get3A_13 : vector<128x128xf32>
    %max3A_15 = arith.maximumf %max3A, %min3A_14 : vector<128x128xf32>
    %max3A_16 = arith.maximumf %max3A_10, %get3A_13 : vector<128x128xf32>
    %get3A_17 = arith.constant 0 : index
    %get3A_18 = arith.constant 256 : index
    %get3A_19 = vector.load %arg2[%get3A_17, %get3A_18] : memref<128x16000xf32, #tpu.memory_space<vmem>>, vector<128x128xf32>
    %min3A_20 = arith.minimumf %max3A_16, %get3A_19 : vector<128x128xf32>
    %max3A_21 = arith.maximumf %max3A_15, %min3A_20 : vector<128x128xf32>
    %max3A_22 = arith.maximumf %max3A_16, %get3A_19 : vector<128x128xf32>
    %get3A_23 = arith.constant 0 : index
    %get3A_24 = arith.constant 384 : index
    %get3A_25 = vector.load %arg2[%get3A_23, %get3A_24] : memref<128x16000xf32, #tpu.memory_space<vmem>>, vector<128x128xf32>
    %min3A_26 = arith.minimumf %max3A_22, %get3A_25 : vector<128x128xf32>
    %max3A_27 = arith.maximumf %max3A_21, %min3A_26 : vector<128x128xf32>
    %max3A_28 = arith.maximumf %max3A_22, %get3A_25 : vector<128x128xf32>
    %get3A_29 = arith.constant 0 : index
    %get3A_30 = arith.constant 512 : index
    %get3A_31 = vector.load %arg2[%get3A_29, %get3A_30] : memref<128x16000xf32, #tpu.memory_space<vmem>>, vector<128x128xf32>
    %min3A_32 = arith.minimumf %max3A_28, %get3A_31 : vector<128x128xf32>
    %max3A_33 = arith.maximumf %max3A_27, %min3A_32 : vector<128x128xf32>
    %max3A_34 = arith.maximumf %max3A_28, %get3A_31 : vector<128x128xf32>
    %get3A_35 = arith.constant 0 : index
    %get3A_36 = arith.constant 640 : index
    %get3A_37 = vector.load %arg2[%get3A_35, %get3A_36] : memref<128x16000xf32, #tpu.memory_space<vmem>>, vector<128x128xf32>
    %min3A_38 = arith.minimumf %max3A_34, %get3A_37 : vector<128x128xf32>
    %max3A_39 = arith.maximumf %max3A_33, %min3A_38 : vector<128x128xf32>
    %max3A_40 = arith.maximumf %max3A_34, %get3A_37 : vector<128x128xf32>
    %get3A_41 = arith.constant 0 : index
    %get3A_42 = arith.constant 768 : index
    %get3A_43 = vector.load %arg2[%get3A_41, %get3A_42] : memref<128x16000xf32, #tpu.memory_space<vmem>>, vector<128x128xf32>
    %min3A_44 = arith.minimumf %max3A_40, %get3A_43 : vector<128x128xf32>
    %max3A_45 = arith.maximumf %max3A_39, %min3A_44 : vector<128x128xf32>
    %max3A_46 = arith.maximumf %max3A_40, %get3A_43 : vector<128x128xf32>
    %get3A_47 = arith.constant 0 : index
    %get3A_48 = arith.constant 896 : index
    %get3A_49 = vector.load %arg2[%get3A_47, %get3A_48] : memref<128x16000xf32, #tpu.memory_space<vmem>>, vector<128x128xf32>
    %min3A_50 = arith.minimumf %max3A_46, %get3A_49 : vector<128x128xf32>
    %max3A_51 = arith.maximumf %max3A_45, %min3A_50 : vector<128x128xf32>
    %max3A_52 = arith.maximumf %max3A_46, %get3A_49 : vector<128x128xf32>
    %get3A_53 = arith.constant 0 : index
    %get3A_54 = arith.constant 1024 : index
    %get3A_55 = vector.load %arg2[%get3A_53, %get3A_54] : memref<128x16000xf32, #tpu.memory_space<vmem>>, vector<128x128xf32>
    %min3A_56 = arith.minimumf %max3A_52, %get3A_55 : vector<128x128xf32>
    %max3A_57 = arith.maximumf %max3A_51, %min3A_56 : vector<128x128xf32>
    %max3A_58 = arith.maximumf %max3A_52, %get3A_55 : vector<128x128xf32>
    %get3A_59 = arith.constant 0 : index
    %get3A_60 = arith.constant 1152 : index
    %get3A_61 = vector.load %arg2[%get3A_59, %get3A_60] : memref<128x16000xf32, #tpu.memory_space<vmem>>, vector<128x128xf32>
    %min3A_62 = arith.minimumf %max3A_58, %get3A_61 : vector<128x128xf32>
    %max3A_63 = arith.maximumf %max3A_57, %min3A_62 : vector<128x128xf32>
    %max3A_64 = arith.maximumf %max3A_58, %get3A_61 : vector<128x128xf32>
    %get3A_65 = arith.constant 0 : index
    %get3A_66 = arith.constant 1280 : index
    %get3A_67 = vector.load %arg2[%get3A_65, %get3A_66] : memref<128x16000xf32, #tpu.memory_space<vmem>>, vector<128x128xf32>
    %min3A_68 = arith.minimumf %max3A_64, %get3A_67 : vector<128x128xf32>
    %max3A_69 = arith.maximumf %max3A_63, %min3A_68 : vector<128x128xf32>
    %max3A_70 = arith.maximumf %max3A_64, %get3A_67 : vector<128x128xf32>
    %get3A_71 = arith.constant 0 : index
    %get3A_72 = arith.constant 1408 : index
    %get3A_73 = vector.load %arg2[%get3A_71, %get3A_72] : memref<128x16000xf32, #tpu.memory_space<vmem>>, vector<128x128xf32>
    %min3A_74 = arith.minimumf %max3A_70, %get3A_73 : vector<128x128xf32>
    %max3A_75 = arith.maximumf %max3A_69, %min3A_74 : vector<128x128xf32>
    %max3A_76 = arith.maximumf %max3A_70, %get3A_73 : vector<128x128xf32>
    %get3A_77 = arith.constant 0 : index
    %get3A_78 = arith.constant 1536 : index
    %get3A_79 = vector.load %arg2[%get3A_77, %get3A_78] : memref<128x16000xf32, #tpu.memory_space<vmem>>, vector<128x128xf32>
    %min3A_80 = arith.minimumf %max3A_76, %get3A_79 : vector<128x128xf32>
    %max3A_81 = arith.maximumf %max3A_75, %min3A_80 : vector<128x128xf32>
    %max3A_82 = arith.maximumf %max3A_76, %get3A_79 : vector<128x128xf32>
    %get3A_83 = arith.constant 0 : index
    %get3A_84 = arith.constant 1664 : index
    %get3A_85 = vector.load %arg2[%get3A_83, %get3A_84] : memref<128x16000xf32, #tpu.memory_space<vmem>>, vector<128x128xf32>
    %min3A_86 = arith.minimumf %max3A_82, %get3A_85 : vector<128x128xf32>
    %max3A_87 = arith.maximumf %max3A_81, %min3A_86 : vector<128x128xf32>
    %max3A_88 = arith.maximumf %max3A_82, %get3A_85 : vector<128x128xf32>
    %get3A_89 = arith.constant 0 : index
    %get3A_90 = arith.constant 1792 : index
    %get3A_91 = vector.load %arg2[%get3A_89, %get3A_90] : memref<128x16000xf32, #tpu.memory_space<vmem>>, vector<128x128xf32>
    %min3A_92 = arith.minimumf %max3A_88, %get3A_91 : vector<128x128xf32>
    %max3A_93 = arith.maximumf %max3A_87, %min3A_92 : vector<128x128xf32>
    %max3A_94 = arith.maximumf %max3A_88, %get3A_91 : vector<128x128xf32>
    %get3A_95 = arith.constant 0 : index
    %get3A_96 = arith.constant 1920 : index
    %get3A_97 = vector.load %arg2[%get3A_95, %get3A_96] : memref<128x16000xf32, #tpu.memory_space<vmem>>, vector<128x128xf32>
    %min3A_98 = arith.minimumf %max3A_94, %get3A_97 : vector<128x128xf32>
    %max3A_99 = arith.maximumf %max3A_93, %min3A_98 : vector<128x128xf32>
    %max3A_100 = arith.maximumf %max3A_94, %get3A_97 : vector<128x128xf32>
    %get3A_101 = arith.constant 0 : index
    %get3A_102 = arith.constant 2048 : index
    %get3A_103 = vector.load %arg2[%get3A_101, %get3A_102] : memref<128x16000xf32, #tpu.memory_space<vmem>>, vector<128x128xf32>
    %min3A_104 = arith.minimumf %max3A_100, %get3A_103 : vector<128x128xf32>
    %max3A_105 = arith.maximumf %max3A_99, %min3A_104 : vector<128x128xf32>
    %max3A_106 = arith.maximumf %max3A_100, %get3A_103 : vector<128x128xf32>
    %get3A_107 = arith.constant 0 : index
    %get3A_108 = arith.constant 2176 : index
    %get3A_109 = vector.load %arg2[%get3A_107, %get3A_108] : memref<128x16000xf32, #tpu.memory_space<vmem>>, vector<128x128xf32>
    %min3A_110 = arith.minimumf %max3A_106, %get3A_109 : vector<128x128xf32>
    %max3A_111 = arith.maximumf %max3A_105, %min3A_110 : vector<128x128xf32>
    %max3A_112 = arith.maximumf %max3A_106, %get3A_109 : vector<128x128xf32>
    %get3A_113 = arith.constant 0 : index
    %get3A_114 = arith.constant 2304 : index
    %get3A_115 = vector.load %arg2[%get3A_113, %get3A_114] : memref<128x16000xf32, #tpu.memory_space<vmem>>, vector<128x128xf32>
    %min3A_116 = arith.minimumf %max3A_112, %get3A_115 : vector<128x128xf32>
    %max3A_117 = arith.maximumf %max3A_111, %min3A_116 : vector<128x128xf32>
    %max3A_118 = arith.maximumf %max3A_112, %get3A_115 : vector<128x128xf32>
    %get3A_119 = arith.constant 0 : index
    %get3A_120 = arith.constant 2432 : index
    %get3A_121 = vector.load %arg2[%get3A_119, %get3A_120] : memref<128x16000xf32, #tpu.memory_space<vmem>>, vector<128x128xf32>
    %min3A_122 = arith.minimumf %max3A_118, %get3A_121 : vector<128x128xf32>
    %max3A_123 = arith.maximumf %max3A_117, %min3A_122 : vector<128x128xf32>
    %max3A_124 = arith.maximumf %max3A_118, %get3A_121 : vector<128x128xf32>
    %get3A_125 = arith.constant 0 : index
    %get3A_126 = arith.constant 2560 : index
    %get3A_127 = vector.load %arg2[%get3A_125, %get3A_126] : memref<128x16000xf32, #tpu.memory_space<vmem>>, vector<128x128xf32>
    %min3A_128 = arith.minimumf %max3A_124, %get3A_127 : vector<128x128xf32>
    %max3A_129 = arith.maximumf %max3A_123, %min3A_128 : vector<128x128xf32>
    %max3A_130 = arith.maximumf %max3A_124, %get3A_127 : vector<128x128xf32>
    %get3A_131 = arith.constant 0 : index
    %get3A_132 = arith.constant 2688 : index
    %get3A_133 = vector.load %arg2[%get3A_131, %get3A_132] : memref<128x16000xf32, #tpu.memory_space<vmem>>, vector<128x128xf32>
    %min3A_134 = arith.minimumf %max3A_130, %get3A_133 : vector<128x128xf32>
    %max3A_135 = arith.maximumf %max3A_129, %min3A_134 : vector<128x128xf32>
    %max3A_136 = arith.maximumf %max3A_130, %get3A_133 : vector<128x128xf32>
    %get3A_137 = arith.constant 0 : index
    %get3A_138 = arith.constant 2816 : index
    %get3A_139 = vector.load %arg2[%get3A_137, %get3A_138] : memref<128x16000xf32, #tpu.memory_space<vmem>>, vector<128x128xf32>
    %min3A_140 = arith.minimumf %max3A_136, %get3A_139 : vector<128x128xf32>
    %max3A_141 = arith.maximumf %max3A_135, %min3A_140 : vector<128x128xf32>
    %max3A_142 = arith.maximumf %max3A_136, %get3A_139 : vector<128x128xf32>
    %get3A_143 = arith.constant 0 : index
    %get3A_144 = arith.constant 2944 : index
    %get3A_145 = vector.load %arg2[%get3A_143, %get3A_144] : memref<128x16000xf32, #tpu.memory_space<vmem>>, vector<128x128xf32>
    %min3A_146 = arith.minimumf %max3A_142, %get3A_145 : vector<128x128xf32>
    %max3A_147 = arith.maximumf %max3A_141, %min3A_146 : vector<128x128xf32>
    %max3A_148 = arith.maximumf %max3A_142, %get3A_145 : vector<128x128xf32>
    %get3A_149 = arith.constant 0 : index
    %get3A_150 = arith.constant 3072 : index
    %get3A_151 = vector.load %arg2[%get3A_149, %get3A_150] : memref<128x16000xf32, #tpu.memory_space<vmem>>, vector<128x128xf32>
    %min3A_152 = arith.minimumf %max3A_148, %get3A_151 : vector<128x128xf32>
    %max3A_153 = arith.maximumf %max3A_147, %min3A_152 : vector<128x128xf32>
    %max3A_154 = arith.maximumf %max3A_148, %get3A_151 : vector<128x128xf32>
    %get3A_155 = arith.constant 0 : index
    %get3A_156 = arith.constant 3200 : index
    %get3A_157 = vector.load %arg2[%get3A_155, %get3A_156] : memref<128x16000xf32, #tpu.memory_space<vmem>>, vector<128x128xf32>
    %min3A_158 = arith.minimumf %max3A_154, %get3A_157 : vector<128x128xf32>
    %max3A_159 = arith.maximumf %max3A_153, %min3A_158 : vector<128x128xf32>
    %max3A_160 = arith.maximumf %max3A_154, %get3A_157 : vector<128x128xf32>
    %get3A_161 = arith.constant 0 : index
    %get3A_162 = arith.constant 3328 : index
    %get3A_163 = vector.load %arg2[%get3A_161, %get3A_162] : memref<128x16000xf32, #tpu.memory_space<vmem>>, vector<128x128xf32>
    %min3A_164 = arith.minimumf %max3A_160, %get3A_163 : vector<128x128xf32>
    %max3A_165 = arith.maximumf %max3A_159, %min3A_164 : vector<128x128xf32>
    %max3A_166 = arith.maximumf %max3A_160, %get3A_163 : vector<128x128xf32>
    %get3A_167 = arith.constant 0 : index
    %get3A_168 = arith.constant 3456 : index
    %get3A_169 = vector.load %arg2[%get3A_167, %get3A_168] : memref<128x16000xf32, #tpu.memory_space<vmem>>, vector<128x128xf32>
    %min3A_170 = arith.minimumf %max3A_166, %get3A_169 : vector<128x128xf32>
    %max3A_171 = arith.maximumf %max3A_165, %min3A_170 : vector<128x128xf32>
    %max3A_172 = arith.maximumf %max3A_166, %get3A_169 : vector<128x128xf32>
    %get3A_173 = arith.constant 0 : index
    %get3A_174 = arith.constant 3584 : index
    %get3A_175 = vector.load %arg2[%get3A_173, %get3A_174] : memref<128x16000xf32, #tpu.memory_space<vmem>>, vector<128x128xf32>
    %min3A_176 = arith.minimumf %max3A_172, %get3A_175 : vector<128x128xf32>
    %max3A_177 = arith.maximumf %max3A_171, %min3A_176 : vector<128x128xf32>
    %max3A_178 = arith.maximumf %max3A_172, %get3A_175 : vector<128x128xf32>
    %get3A_179 = arith.constant 0 : index
    %get3A_180 = arith.constant 3712 : index
    %get3A_181 = vector.load %arg2[%get3A_179, %get3A_180] : memref<128x16000xf32, #tpu.memory_space<vmem>>, vector<128x128xf32>
    %min3A_182 = arith.minimumf %max3A_178, %get3A_181 : vector<128x128xf32>
    %max3A_183 = arith.maximumf %max3A_177, %min3A_182 : vector<128x128xf32>
    %max3A_184 = arith.maximumf %max3A_178, %get3A_181 : vector<128x128xf32>
    %get3A_185 = arith.constant 0 : index
    %get3A_186 = arith.constant 3840 : index
    %get3A_187 = vector.load %arg2[%get3A_185, %get3A_186] : memref<128x16000xf32, #tpu.memory_space<vmem>>, vector<128x128xf32>
    %min3A_188 = arith.minimumf %max3A_184, %get3A_187 : vector<128x128xf32>
    %max3A_189 = arith.maximumf %max3A_183, %min3A_188 : vector<128x128xf32>
    %max3A_190 = arith.maximumf %max3A_184, %get3A_187 : vector<128x128xf32>
    %get3A_191 = arith.constant 0 : index
    %get3A_192 = arith.constant 3968 : index
    %get3A_193 = vector.load %arg2[%get3A_191, %get3A_192] : memref<128x16000xf32, #tpu.memory_space<vmem>>, vector<128x128xf32>
    %min3A_194 = arith.minimumf %max3A_190, %get3A_193 : vector<128x128xf32>
    %max3A_195 = arith.maximumf %max3A_189, %min3A_194 : vector<128x128xf32>
    %max3A_196 = arith.maximumf %max3A_190, %get3A_193 : vector<128x128xf32>
    %get3A_197 = arith.constant 0 : index
    %get3A_198 = arith.constant 4096 : index
    %get3A_199 = vector.load %arg2[%get3A_197, %get3A_198] : memref<128x16000xf32, #tpu.memory_space<vmem>>, vector<128x128xf32>
    %min3A_200 = arith.minimumf %max3A_196, %get3A_199 : vector<128x128xf32>
    %max3A_201 = arith.maximumf %max3A_195, %min3A_200 : vector<128x128xf32>
    %max3A_202 = arith.maximumf %max3A_196, %get3A_199 : vector<128x128xf32>
    %get3A_203 = arith.constant 0 : index
    %get3A_204 = arith.constant 4224 : index
    %get3A_205 = vector.load %arg2[%get3A_203, %get3A_204] : memref<128x16000xf32, #tpu.memory_space<vmem>>, vector<128x128xf32>
    %min3A_206 = arith.minimumf %max3A_202, %get3A_205 : vector<128x128xf32>
    %max3A_207 = arith.maximumf %max3A_201, %min3A_206 : vector<128x128xf32>
    %max3A_208 = arith.maximumf %max3A_202, %get3A_205 : vector<128x128xf32>
    %get3A_209 = arith.constant 0 : index
    %get3A_210 = arith.constant 4352 : index
    %get3A_211 = vector.load %arg2[%get3A_209, %get3A_210] : memref<128x16000xf32, #tpu.memory_space<vmem>>, vector<128x128xf32>
    %min3A_212 = arith.minimumf %max3A_208, %get3A_211 : vector<128x128xf32>
    %max3A_213 = arith.maximumf %max3A_207, %min3A_212 : vector<128x128xf32>
    %max3A_214 = arith.maximumf %max3A_208, %get3A_211 : vector<128x128xf32>
    %get3A_215 = arith.constant 0 : index
    %get3A_216 = arith.constant 4480 : index
    %get3A_217 = vector.load %arg2[%get3A_215, %get3A_216] : memref<128x16000xf32, #tpu.memory_space<vmem>>, vector<128x128xf32>
    %min3A_218 = arith.minimumf %max3A_214, %get3A_217 : vector<128x128xf32>
    %max3A_219 = arith.maximumf %max3A_213, %min3A_218 : vector<128x128xf32>
    %max3A_220 = arith.maximumf %max3A_214, %get3A_217 : vector<128x128xf32>
    %get3A_221 = arith.constant 0 : index
    %get3A_222 = arith.constant 4608 : index
    %get3A_223 = vector.load %arg2[%get3A_221, %get3A_222] : memref<128x16000xf32, #tpu.memory_space<vmem>>, vector<128x128xf32>
    %min3A_224 = arith.minimumf %max3A_220, %get3A_223 : vector<128x128xf32>
    %max3A_225 = arith.maximumf %max3A_219, %min3A_224 : vector<128x128xf32>
    %max3A_226 = arith.maximumf %max3A_220, %get3A_223 : vector<128x128xf32>
    %get3A_227 = arith.constant 0 : index
    %get3A_228 = arith.constant 4736 : index
    %get3A_229 = vector.load %arg2[%get3A_227, %get3A_228] : memref<128x16000xf32, #tpu.memory_space<vmem>>, vector<128x128xf32>
    %min3A_230 = arith.minimumf %max3A_226, %get3A_229 : vector<128x128xf32>
    %max3A_231 = arith.maximumf %max3A_225, %min3A_230 : vector<128x128xf32>
    %max3A_232 = arith.maximumf %max3A_226, %get3A_229 : vector<128x128xf32>
    %get3A_233 = arith.constant 0 : index
    %get3A_234 = arith.constant 4864 : index
    %get3A_235 = vector.load %arg2[%get3A_233, %get3A_234] : memref<128x16000xf32, #tpu.memory_space<vmem>>, vector<128x128xf32>
    %min3A_236 = arith.minimumf %max3A_232, %get3A_235 : vector<128x128xf32>
    %max3A_237 = arith.maximumf %max3A_231, %min3A_236 : vector<128x128xf32>
    %max3A_238 = arith.maximumf %max3A_232, %get3A_235 : vector<128x128xf32>
    %get3A_239 = arith.constant 0 : index
    %get3A_240 = arith.constant 4992 : index
    %get3A_241 = vector.load %arg2[%get3A_239, %get3A_240] : memref<128x16000xf32, #tpu.memory_space<vmem>>, vector<128x128xf32>
    %min3A_242 = arith.minimumf %max3A_238, %get3A_241 : vector<128x128xf32>
    %max3A_243 = arith.maximumf %max3A_237, %min3A_242 : vector<128x128xf32>
    %max3A_244 = arith.maximumf %max3A_238, %get3A_241 : vector<128x128xf32>
    %get3A_245 = arith.constant 0 : index
    %get3A_246 = arith.constant 5120 : index
    %get3A_247 = vector.load %arg2[%get3A_245, %get3A_246] : memref<128x16000xf32, #tpu.memory_space<vmem>>, vector<128x128xf32>
    %min3A_248 = arith.minimumf %max3A_244, %get3A_247 : vector<128x128xf32>
    %max3A_249 = arith.maximumf %max3A_243, %min3A_248 : vector<128x128xf32>
    %max3A_250 = arith.maximumf %max3A_244, %get3A_247 : vector<128x128xf32>
    %get3A_251 = arith.constant 0 : index
    %get3A_252 = arith.constant 5248 : index
    %get3A_253 = vector.load %arg2[%get3A_251, %get3A_252] : memref<128x16000xf32, #tpu.memory_space<vmem>>, vector<128x128xf32>
    %min3A_254 = arith.minimumf %max3A_250, %get3A_253 : vector<128x128xf32>
    %max3A_255 = arith.maximumf %max3A_249, %min3A_254 : vector<128x128xf32>
    %max3A_256 = arith.maximumf %max3A_250, %get3A_253 : vector<128x128xf32>
    %get3A_257 = arith.constant 0 : index
    %get3A_258 = arith.constant 5376 : index
    %get3A_259 = vector.load %arg2[%get3A_257, %get3A_258] : memref<128x16000xf32, #tpu.memory_space<vmem>>, vector<128x128xf32>
    %min3A_260 = arith.minimumf %max3A_256, %get3A_259 : vector<128x128xf32>
    %max3A_261 = arith.maximumf %max3A_255, %min3A_260 : vector<128x128xf32>
    %max3A_262 = arith.maximumf %max3A_256, %get3A_259 : vector<128x128xf32>
    %get3A_263 = arith.constant 0 : index
    %get3A_264 = arith.constant 5504 : index
    %get3A_265 = vector.load %arg2[%get3A_263, %get3A_264] : memref<128x16000xf32, #tpu.memory_space<vmem>>, vector<128x128xf32>
    %min3A_266 = arith.minimumf %max3A_262, %get3A_265 : vector<128x128xf32>
    %max3A_267 = arith.maximumf %max3A_261, %min3A_266 : vector<128x128xf32>
    %max3A_268 = arith.maximumf %max3A_262, %get3A_265 : vector<128x128xf32>
    %get3A_269 = arith.constant 0 : index
    %get3A_270 = arith.constant 5632 : index
    %get3A_271 = vector.load %arg2[%get3A_269, %get3A_270] : memref<128x16000xf32, #tpu.memory_space<vmem>>, vector<128x128xf32>
    %min3A_272 = arith.minimumf %max3A_268, %get3A_271 : vector<128x128xf32>
    %max3A_273 = arith.maximumf %max3A_267, %min3A_272 : vector<128x128xf32>
    %max3A_274 = arith.maximumf %max3A_268, %get3A_271 : vector<128x128xf32>
    %get3A_275 = arith.constant 0 : index
    %get3A_276 = arith.constant 5760 : index
    %get3A_277 = vector.load %arg2[%get3A_275, %get3A_276] : memref<128x16000xf32, #tpu.memory_space<vmem>>, vector<128x128xf32>
    %min3A_278 = arith.minimumf %max3A_274, %get3A_277 : vector<128x128xf32>
    %max3A_279 = arith.maximumf %max3A_273, %min3A_278 : vector<128x128xf32>
    %max3A_280 = arith.maximumf %max3A_274, %get3A_277 : vector<128x128xf32>
    %get3A_281 = arith.constant 0 : index
    %get3A_282 = arith.constant 5888 : index
    %get3A_283 = vector.load %arg2[%get3A_281, %get3A_282] : memref<128x16000xf32, #tpu.memory_space<vmem>>, vector<128x128xf32>
    %min3A_284 = arith.minimumf %max3A_280, %get3A_283 : vector<128x128xf32>
    %max3A_285 = arith.maximumf %max3A_279, %min3A_284 : vector<128x128xf32>
    %max3A_286 = arith.maximumf %max3A_280, %get3A_283 : vector<128x128xf32>
    %get3A_287 = arith.constant 0 : index
    %get3A_288 = arith.constant 6016 : index
    %get3A_289 = vector.load %arg2[%get3A_287, %get3A_288] : memref<128x16000xf32, #tpu.memory_space<vmem>>, vector<128x128xf32>
    %min3A_290 = arith.minimumf %max3A_286, %get3A_289 : vector<128x128xf32>
    %max3A_291 = arith.maximumf %max3A_285, %min3A_290 : vector<128x128xf32>
    %max3A_292 = arith.maximumf %max3A_286, %get3A_289 : vector<128x128xf32>
    %get3A_293 = arith.constant 0 : index
    %get3A_294 = arith.constant 6144 : index
    %get3A_295 = vector.load %arg2[%get3A_293, %get3A_294] : memref<128x16000xf32, #tpu.memory_space<vmem>>, vector<128x128xf32>
    %min3A_296 = arith.minimumf %max3A_292, %get3A_295 : vector<128x128xf32>
    %max3A_297 = arith.maximumf %max3A_291, %min3A_296 : vector<128x128xf32>
    %max3A_298 = arith.maximumf %max3A_292, %get3A_295 : vector<128x128xf32>
    %get3A_299 = arith.constant 0 : index
    %get3A_300 = arith.constant 6272 : index
    %get3A_301 = vector.load %arg2[%get3A_299, %get3A_300] : memref<128x16000xf32, #tpu.memory_space<vmem>>, vector<128x128xf32>
    %min3A_302 = arith.minimumf %max3A_298, %get3A_301 : vector<128x128xf32>
    %max3A_303 = arith.maximumf %max3A_297, %min3A_302 : vector<128x128xf32>
    %max3A_304 = arith.maximumf %max3A_298, %get3A_301 : vector<128x128xf32>
    %get3A_305 = arith.constant 0 : index
    %get3A_306 = arith.constant 6400 : index
    %get3A_307 = vector.load %arg2[%get3A_305, %get3A_306] : memref<128x16000xf32, #tpu.memory_space<vmem>>, vector<128x128xf32>
    %min3A_308 = arith.minimumf %max3A_304, %get3A_307 : vector<128x128xf32>
    %max3A_309 = arith.maximumf %max3A_303, %min3A_308 : vector<128x128xf32>
    %max3A_310 = arith.maximumf %max3A_304, %get3A_307 : vector<128x128xf32>
    %get3A_311 = arith.constant 0 : index
    %get3A_312 = arith.constant 6528 : index
    %get3A_313 = vector.load %arg2[%get3A_311, %get3A_312] : memref<128x16000xf32, #tpu.memory_space<vmem>>, vector<128x128xf32>
    %min3A_314 = arith.minimumf %max3A_310, %get3A_313 : vector<128x128xf32>
    %max3A_315 = arith.maximumf %max3A_309, %min3A_314 : vector<128x128xf32>
    %max3A_316 = arith.maximumf %max3A_310, %get3A_313 : vector<128x128xf32>
    %get3A_317 = arith.constant 0 : index
    %get3A_318 = arith.constant 6656 : index
    %get3A_319 = vector.load %arg2[%get3A_317, %get3A_318] : memref<128x16000xf32, #tpu.memory_space<vmem>>, vector<128x128xf32>
    %min3A_320 = arith.minimumf %max3A_316, %get3A_319 : vector<128x128xf32>
    %max3A_321 = arith.maximumf %max3A_315, %min3A_320 : vector<128x128xf32>
    %max3A_322 = arith.maximumf %max3A_316, %get3A_319 : vector<128x128xf32>
    %get3A_323 = arith.constant 0 : index
    %get3A_324 = arith.constant 6784 : index
    %get3A_325 = vector.load %arg2[%get3A_323, %get3A_324] : memref<128x16000xf32, #tpu.memory_space<vmem>>, vector<128x128xf32>
    %min3A_326 = arith.minimumf %max3A_322, %get3A_325 : vector<128x128xf32>
    %max3A_327 = arith.maximumf %max3A_321, %min3A_326 : vector<128x128xf32>
    %max3A_328 = arith.maximumf %max3A_322, %get3A_325 : vector<128x128xf32>
    %get3A_329 = arith.constant 0 : index
    %get3A_330 = arith.constant 6912 : index
    %get3A_331 = vector.load %arg2[%get3A_329, %get3A_330] : memref<128x16000xf32, #tpu.memory_space<vmem>>, vector<128x128xf32>
    %min3A_332 = arith.minimumf %max3A_328, %get3A_331 : vector<128x128xf32>
    %max3A_333 = arith.maximumf %max3A_327, %min3A_332 : vector<128x128xf32>
    %max3A_334 = arith.maximumf %max3A_328, %get3A_331 : vector<128x128xf32>
    %get3A_335 = arith.constant 0 : index
    %get3A_336 = arith.constant 7040 : index
    %get3A_337 = vector.load %arg2[%get3A_335, %get3A_336] : memref<128x16000xf32, #tpu.memory_space<vmem>>, vector<128x128xf32>
    %min3A_338 = arith.minimumf %max3A_334, %get3A_337 : vector<128x128xf32>
    %max3A_339 = arith.maximumf %max3A_333, %min3A_338 : vector<128x128xf32>
    %max3A_340 = arith.maximumf %max3A_334, %get3A_337 : vector<128x128xf32>
    %get3A_341 = arith.constant 0 : index
    %get3A_342 = arith.constant 7168 : index
    %get3A_343 = vector.load %arg2[%get3A_341, %get3A_342] : memref<128x16000xf32, #tpu.memory_space<vmem>>, vector<128x128xf32>
    %min3A_344 = arith.minimumf %max3A_340, %get3A_343 : vector<128x128xf32>
    %max3A_345 = arith.maximumf %max3A_339, %min3A_344 : vector<128x128xf32>
    %max3A_346 = arith.maximumf %max3A_340, %get3A_343 : vector<128x128xf32>
    %get3A_347 = arith.constant 0 : index
    %get3A_348 = arith.constant 7296 : index
    %get3A_349 = vector.load %arg2[%get3A_347, %get3A_348] : memref<128x16000xf32, #tpu.memory_space<vmem>>, vector<128x128xf32>
    %min3A_350 = arith.minimumf %max3A_346, %get3A_349 : vector<128x128xf32>
    %max3A_351 = arith.maximumf %max3A_345, %min3A_350 : vector<128x128xf32>
    %max3A_352 = arith.maximumf %max3A_346, %get3A_349 : vector<128x128xf32>
    %get3A_353 = arith.constant 0 : index
    %get3A_354 = arith.constant 7424 : index
    %get3A_355 = vector.load %arg2[%get3A_353, %get3A_354] : memref<128x16000xf32, #tpu.memory_space<vmem>>, vector<128x128xf32>
    %min3A_356 = arith.minimumf %max3A_352, %get3A_355 : vector<128x128xf32>
    %max3A_357 = arith.maximumf %max3A_351, %min3A_356 : vector<128x128xf32>
    %max3A_358 = arith.maximumf %max3A_352, %get3A_355 : vector<128x128xf32>
    %get3A_359 = arith.constant 0 : index
    %get3A_360 = arith.constant 7552 : index
    %get3A_361 = vector.load %arg2[%get3A_359, %get3A_360] : memref<128x16000xf32, #tpu.memory_space<vmem>>, vector<128x128xf32>
    %min3A_362 = arith.minimumf %max3A_358, %get3A_361 : vector<128x128xf32>
    %max3A_363 = arith.maximumf %max3A_357, %min3A_362 : vector<128x128xf32>
    %max3A_364 = arith.maximumf %max3A_358, %get3A_361 : vector<128x128xf32>
    %get3A_365 = arith.constant 0 : index
    %get3A_366 = arith.constant 7680 : index
    %get3A_367 = vector.load %arg2[%get3A_365, %get3A_366] : memref<128x16000xf32, #tpu.memory_space<vmem>>, vector<128x128xf32>
    %min3A_368 = arith.minimumf %max3A_364, %get3A_367 : vector<128x128xf32>
    %max3A_369 = arith.maximumf %max3A_363, %min3A_368 : vector<128x128xf32>
    %max3A_370 = arith.maximumf %max3A_364, %get3A_367 : vector<128x128xf32>
    %get3A_371 = arith.constant 0 : index
    %get3A_372 = arith.constant 7808 : index
    %get3A_373 = vector.load %arg2[%get3A_371, %get3A_372] : memref<128x16000xf32, #tpu.memory_space<vmem>>, vector<128x128xf32>
    %min3A_374 = arith.minimumf %max3A_370, %get3A_373 : vector<128x128xf32>
    %max3A_375 = arith.maximumf %max3A_369, %min3A_374 : vector<128x128xf32>
    %max3A_376 = arith.maximumf %max3A_370, %get3A_373 : vector<128x128xf32>
    %get3A_377 = arith.constant 0 : index
    %get3A_378 = arith.constant 7936 : index
    %get3A_379 = vector.load %arg2[%get3A_377, %get3A_378] : memref<128x16000xf32, #tpu.memory_space<vmem>>, vector<128x128xf32>
    %min3A_380 = arith.minimumf %max3A_376, %get3A_379 : vector<128x128xf32>
    %max3A_381 = arith.maximumf %max3A_375, %min3A_380 : vector<128x128xf32>
    %max3A_382 = arith.maximumf %max3A_376, %get3A_379 : vector<128x128xf32>
    %get3A_383 = arith.constant 0 : index
    %get3A_384 = arith.constant 8064 : index
    %get3A_385 = vector.load %arg2[%get3A_383, %get3A_384] : memref<128x16000xf32, #tpu.memory_space<vmem>>, vector<128x128xf32>
    %min3A_386 = arith.minimumf %max3A_382, %get3A_385 : vector<128x128xf32>
    %max3A_387 = arith.maximumf %max3A_381, %min3A_386 : vector<128x128xf32>
    %max3A_388 = arith.maximumf %max3A_382, %get3A_385 : vector<128x128xf32>
    %get3A_389 = arith.constant 0 : index
    %get3A_390 = arith.constant 8192 : index
    %get3A_391 = vector.load %arg2[%get3A_389, %get3A_390] : memref<128x16000xf32, #tpu.memory_space<vmem>>, vector<128x128xf32>
    %min3A_392 = arith.minimumf %max3A_388, %get3A_391 : vector<128x128xf32>
    %max3A_393 = arith.maximumf %max3A_387, %min3A_392 : vector<128x128xf32>
    %max3A_394 = arith.maximumf %max3A_388, %get3A_391 : vector<128x128xf32>
    %get3A_395 = arith.constant 0 : index
    %get3A_396 = arith.constant 8320 : index
    %get3A_397 = vector.load %arg2[%get3A_395, %get3A_396] : memref<128x16000xf32, #tpu.memory_space<vmem>>, vector<128x128xf32>
    %min3A_398 = arith.minimumf %max3A_394, %get3A_397 : vector<128x128xf32>
    %max3A_399 = arith.maximumf %max3A_393, %min3A_398 : vector<128x128xf32>
    %max3A_400 = arith.maximumf %max3A_394, %get3A_397 : vector<128x128xf32>
    %get3A_401 = arith.constant 0 : index
    %get3A_402 = arith.constant 8448 : index
    %get3A_403 = vector.load %arg2[%get3A_401, %get3A_402] : memref<128x16000xf32, #tpu.memory_space<vmem>>, vector<128x128xf32>
    %min3A_404 = arith.minimumf %max3A_400, %get3A_403 : vector<128x128xf32>
    %max3A_405 = arith.maximumf %max3A_399, %min3A_404 : vector<128x128xf32>
    %max3A_406 = arith.maximumf %max3A_400, %get3A_403 : vector<128x128xf32>
    %get3A_407 = arith.constant 0 : index
    %get3A_408 = arith.constant 8576 : index
    %get3A_409 = vector.load %arg2[%get3A_407, %get3A_408] : memref<128x16000xf32, #tpu.memory_space<vmem>>, vector<128x128xf32>
    %min3A_410 = arith.minimumf %max3A_406, %get3A_409 : vector<128x128xf32>
    %max3A_411 = arith.maximumf %max3A_405, %min3A_410 : vector<128x128xf32>
    %max3A_412 = arith.maximumf %max3A_406, %get3A_409 : vector<128x128xf32>
    %get3A_413 = arith.constant 0 : index
    %get3A_414 = arith.constant 8704 : index
    %get3A_415 = vector.load %arg2[%get3A_413, %get3A_414] : memref<128x16000xf32, #tpu.memory_space<vmem>>, vector<128x128xf32>
    %min3A_416 = arith.minimumf %max3A_412, %get3A_415 : vector<128x128xf32>
    %max3A_417 = arith.maximumf %max3A_411, %min3A_416 : vector<128x128xf32>
    %max3A_418 = arith.maximumf %max3A_412, %get3A_415 : vector<128x128xf32>
    %get3A_419 = arith.constant 0 : index
    %get3A_420 = arith.constant 8832 : index
    %get3A_421 = vector.load %arg2[%get3A_419, %get3A_420] : memref<128x16000xf32, #tpu.memory_space<vmem>>, vector<128x128xf32>
    %min3A_422 = arith.minimumf %max3A_418, %get3A_421 : vector<128x128xf32>
    %max3A_423 = arith.maximumf %max3A_417, %min3A_422 : vector<128x128xf32>
    %max3A_424 = arith.maximumf %max3A_418, %get3A_421 : vector<128x128xf32>
    %get3A_425 = arith.constant 0 : index
    %get3A_426 = arith.constant 8960 : index
    %get3A_427 = vector.load %arg2[%get3A_425, %get3A_426] : memref<128x16000xf32, #tpu.memory_space<vmem>>, vector<128x128xf32>
    %min3A_428 = arith.minimumf %max3A_424, %get3A_427 : vector<128x128xf32>
    %max3A_429 = arith.maximumf %max3A_423, %min3A_428 : vector<128x128xf32>
    %max3A_430 = arith.maximumf %max3A_424, %get3A_427 : vector<128x128xf32>
    %get3A_431 = arith.constant 0 : index
    %get3A_432 = arith.constant 9088 : index
    %get3A_433 = vector.load %arg2[%get3A_431, %get3A_432] : memref<128x16000xf32, #tpu.memory_space<vmem>>, vector<128x128xf32>
    %min3A_434 = arith.minimumf %max3A_430, %get3A_433 : vector<128x128xf32>
    %max3A_435 = arith.maximumf %max3A_429, %min3A_434 : vector<128x128xf32>
    %max3A_436 = arith.maximumf %max3A_430, %get3A_433 : vector<128x128xf32>
    %get3A_437 = arith.constant 0 : index
    %get3A_438 = arith.constant 9216 : index
    %get3A_439 = vector.load %arg2[%get3A_437, %get3A_438] : memref<128x16000xf32, #tpu.memory_space<vmem>>, vector<128x128xf32>
    %min3A_440 = arith.minimumf %max3A_436, %get3A_439 : vector<128x128xf32>
    %max3A_441 = arith.maximumf %max3A_435, %min3A_440 : vector<128x128xf32>
    %max3A_442 = arith.maximumf %max3A_436, %get3A_439 : vector<128x128xf32>
    %get3A_443 = arith.constant 0 : index
    %get3A_444 = arith.constant 9344 : index
    %get3A_445 = vector.load %arg2[%get3A_443, %get3A_444] : memref<128x16000xf32, #tpu.memory_space<vmem>>, vector<128x128xf32>
    %min3A_446 = arith.minimumf %max3A_442, %get3A_445 : vector<128x128xf32>
    %max3A_447 = arith.maximumf %max3A_441, %min3A_446 : vector<128x128xf32>
    %max3A_448 = arith.maximumf %max3A_442, %get3A_445 : vector<128x128xf32>
    %get3A_449 = arith.constant 0 : index
    %get3A_450 = arith.constant 9472 : index
    %get3A_451 = vector.load %arg2[%get3A_449, %get3A_450] : memref<128x16000xf32, #tpu.memory_space<vmem>>, vector<128x128xf32>
    %min3A_452 = arith.minimumf %max3A_448, %get3A_451 : vector<128x128xf32>
    %max3A_453 = arith.maximumf %max3A_447, %min3A_452 : vector<128x128xf32>
    %max3A_454 = arith.maximumf %max3A_448, %get3A_451 : vector<128x128xf32>
    %get3A_455 = arith.constant 0 : index
    %get3A_456 = arith.constant 9600 : index
    %get3A_457 = vector.load %arg2[%get3A_455, %get3A_456] : memref<128x16000xf32, #tpu.memory_space<vmem>>, vector<128x128xf32>
    %min3A_458 = arith.minimumf %max3A_454, %get3A_457 : vector<128x128xf32>
    %max3A_459 = arith.maximumf %max3A_453, %min3A_458 : vector<128x128xf32>
    %max3A_460 = arith.maximumf %max3A_454, %get3A_457 : vector<128x128xf32>
    %get3A_461 = arith.constant 0 : index
    %get3A_462 = arith.constant 9728 : index
    %get3A_463 = vector.load %arg2[%get3A_461, %get3A_462] : memref<128x16000xf32, #tpu.memory_space<vmem>>, vector<128x128xf32>
    %min3A_464 = arith.minimumf %max3A_460, %get3A_463 : vector<128x128xf32>
    %max3A_465 = arith.maximumf %max3A_459, %min3A_464 : vector<128x128xf32>
    %max3A_466 = arith.maximumf %max3A_460, %get3A_463 : vector<128x128xf32>
    %get3A_467 = arith.constant 0 : index
    %get3A_468 = arith.constant 9856 : index
    %get3A_469 = vector.load %arg2[%get3A_467, %get3A_468] : memref<128x16000xf32, #tpu.memory_space<vmem>>, vector<128x128xf32>
    %min3A_470 = arith.minimumf %max3A_466, %get3A_469 : vector<128x128xf32>
    %max3A_471 = arith.maximumf %max3A_465, %min3A_470 : vector<128x128xf32>
    %max3A_472 = arith.maximumf %max3A_466, %get3A_469 : vector<128x128xf32>
    %get3A_473 = arith.constant 0 : index
    %get3A_474 = arith.constant 9984 : index
    %get3A_475 = vector.load %arg2[%get3A_473, %get3A_474] : memref<128x16000xf32, #tpu.memory_space<vmem>>, vector<128x128xf32>
    %min3A_476 = arith.minimumf %max3A_472, %get3A_475 : vector<128x128xf32>
    %max3A_477 = arith.maximumf %max3A_471, %min3A_476 : vector<128x128xf32>
    %max3A_478 = arith.maximumf %max3A_472, %get3A_475 : vector<128x128xf32>
    %get3A_479 = arith.constant 0 : index
    %get3A_480 = arith.constant 10112 : index
    %get3A_481 = vector.load %arg2[%get3A_479, %get3A_480] : memref<128x16000xf32, #tpu.memory_space<vmem>>, vector<128x128xf32>
    %min3A_482 = arith.minimumf %max3A_478, %get3A_481 : vector<128x128xf32>
    %max3A_483 = arith.maximumf %max3A_477, %min3A_482 : vector<128x128xf32>
    %max3A_484 = arith.maximumf %max3A_478, %get3A_481 : vector<128x128xf32>
    %get3A_485 = arith.constant 0 : index
    %get3A_486 = arith.constant 10240 : index
    %get3A_487 = vector.load %arg2[%get3A_485, %get3A_486] : memref<128x16000xf32, #tpu.memory_space<vmem>>, vector<128x128xf32>
    %min3A_488 = arith.minimumf %max3A_484, %get3A_487 : vector<128x128xf32>
    %max3A_489 = arith.maximumf %max3A_483, %min3A_488 : vector<128x128xf32>
    %max3A_490 = arith.maximumf %max3A_484, %get3A_487 : vector<128x128xf32>
    %get3A_491 = arith.constant 0 : index
    %get3A_492 = arith.constant 10368 : index
    %get3A_493 = vector.load %arg2[%get3A_491, %get3A_492] : memref<128x16000xf32, #tpu.memory_space<vmem>>, vector<128x128xf32>
    %min3A_494 = arith.minimumf %max3A_490, %get3A_493 : vector<128x128xf32>
    %max3A_495 = arith.maximumf %max3A_489, %min3A_494 : vector<128x128xf32>
    %max3A_496 = arith.maximumf %max3A_490, %get3A_493 : vector<128x128xf32>
    %get3A_497 = arith.constant 0 : index
    %get3A_498 = arith.constant 10496 : index
    %get3A_499 = vector.load %arg2[%get3A_497, %get3A_498] : memref<128x16000xf32, #tpu.memory_space<vmem>>, vector<128x128xf32>
    %min3A_500 = arith.minimumf %max3A_496, %get3A_499 : vector<128x128xf32>
    %max3A_501 = arith.maximumf %max3A_495, %min3A_500 : vector<128x128xf32>
    %max3A_502 = arith.maximumf %max3A_496, %get3A_499 : vector<128x128xf32>
    %get3A_503 = arith.constant 0 : index
    %get3A_504 = arith.constant 10624 : index
    %get3A_505 = vector.load %arg2[%get3A_503, %get3A_504] : memref<128x16000xf32, #tpu.memory_space<vmem>>, vector<128x128xf32>
    %min3A_506 = arith.minimumf %max3A_502, %get3A_505 : vector<128x128xf32>
    %max3A_507 = arith.maximumf %max3A_501, %min3A_506 : vector<128x128xf32>
    %max3A_508 = arith.maximumf %max3A_502, %get3A_505 : vector<128x128xf32>
    %get3A_509 = arith.constant 0 : index
    %get3A_510 = arith.constant 10752 : index
    %get3A_511 = vector.load %arg2[%get3A_509, %get3A_510] : memref<128x16000xf32, #tpu.memory_space<vmem>>, vector<128x128xf32>
    %min3A_512 = arith.minimumf %max3A_508, %get3A_511 : vector<128x128xf32>
    %max3A_513 = arith.maximumf %max3A_507, %min3A_512 : vector<128x128xf32>
    %max3A_514 = arith.maximumf %max3A_508, %get3A_511 : vector<128x128xf32>
    %get3A_515 = arith.constant 0 : index
    %get3A_516 = arith.constant 10880 : index
    %get3A_517 = vector.load %arg2[%get3A_515, %get3A_516] : memref<128x16000xf32, #tpu.memory_space<vmem>>, vector<128x128xf32>
    %min3A_518 = arith.minimumf %max3A_514, %get3A_517 : vector<128x128xf32>
    %max3A_519 = arith.maximumf %max3A_513, %min3A_518 : vector<128x128xf32>
    %max3A_520 = arith.maximumf %max3A_514, %get3A_517 : vector<128x128xf32>
    %get3A_521 = arith.constant 0 : index
    %get3A_522 = arith.constant 11008 : index
    %get3A_523 = vector.load %arg2[%get3A_521, %get3A_522] : memref<128x16000xf32, #tpu.memory_space<vmem>>, vector<128x128xf32>
    %min3A_524 = arith.minimumf %max3A_520, %get3A_523 : vector<128x128xf32>
    %max3A_525 = arith.maximumf %max3A_519, %min3A_524 : vector<128x128xf32>
    %max3A_526 = arith.maximumf %max3A_520, %get3A_523 : vector<128x128xf32>
    %get3A_527 = arith.constant 0 : index
    %get3A_528 = arith.constant 11136 : index
    %get3A_529 = vector.load %arg2[%get3A_527, %get3A_528] : memref<128x16000xf32, #tpu.memory_space<vmem>>, vector<128x128xf32>
    %min3A_530 = arith.minimumf %max3A_526, %get3A_529 : vector<128x128xf32>
    %max3A_531 = arith.maximumf %max3A_525, %min3A_530 : vector<128x128xf32>
    %max3A_532 = arith.maximumf %max3A_526, %get3A_529 : vector<128x128xf32>
    %get3A_533 = arith.constant 0 : index
    %get3A_534 = arith.constant 11264 : index
    %get3A_535 = vector.load %arg2[%get3A_533, %get3A_534] : memref<128x16000xf32, #tpu.memory_space<vmem>>, vector<128x128xf32>
    %min3A_536 = arith.minimumf %max3A_532, %get3A_535 : vector<128x128xf32>
    %max3A_537 = arith.maximumf %max3A_531, %min3A_536 : vector<128x128xf32>
    %max3A_538 = arith.maximumf %max3A_532, %get3A_535 : vector<128x128xf32>
    %get3A_539 = arith.constant 0 : index
    %get3A_540 = arith.constant 11392 : index
    %get3A_541 = vector.load %arg2[%get3A_539, %get3A_540] : memref<128x16000xf32, #tpu.memory_space<vmem>>, vector<128x128xf32>
    %min3A_542 = arith.minimumf %max3A_538, %get3A_541 : vector<128x128xf32>
    %max3A_543 = arith.maximumf %max3A_537, %min3A_542 : vector<128x128xf32>
    %max3A_544 = arith.maximumf %max3A_538, %get3A_541 : vector<128x128xf32>
    %get3A_545 = arith.constant 0 : index
    %get3A_546 = arith.constant 11520 : index
    %get3A_547 = vector.load %arg2[%get3A_545, %get3A_546] : memref<128x16000xf32, #tpu.memory_space<vmem>>, vector<128x128xf32>
    %min3A_548 = arith.minimumf %max3A_544, %get3A_547 : vector<128x128xf32>
    %max3A_549 = arith.maximumf %max3A_543, %min3A_548 : vector<128x128xf32>
    %max3A_550 = arith.maximumf %max3A_544, %get3A_547 : vector<128x128xf32>
    %get3A_551 = arith.constant 0 : index
    %get3A_552 = arith.constant 11648 : index
    %get3A_553 = vector.load %arg2[%get3A_551, %get3A_552] : memref<128x16000xf32, #tpu.memory_space<vmem>>, vector<128x128xf32>
    %min3A_554 = arith.minimumf %max3A_550, %get3A_553 : vector<128x128xf32>
    %max3A_555 = arith.maximumf %max3A_549, %min3A_554 : vector<128x128xf32>
    %max3A_556 = arith.maximumf %max3A_550, %get3A_553 : vector<128x128xf32>
    %get3A_557 = arith.constant 0 : index
    %get3A_558 = arith.constant 11776 : index
    %get3A_559 = vector.load %arg2[%get3A_557, %get3A_558] : memref<128x16000xf32, #tpu.memory_space<vmem>>, vector<128x128xf32>
    %min3A_560 = arith.minimumf %max3A_556, %get3A_559 : vector<128x128xf32>
    %max3A_561 = arith.maximumf %max3A_555, %min3A_560 : vector<128x128xf32>
    %max3A_562 = arith.maximumf %max3A_556, %get3A_559 : vector<128x128xf32>
    %get3A_563 = arith.constant 0 : index
    %get3A_564 = arith.constant 11904 : index
    %get3A_565 = vector.load %arg2[%get3A_563, %get3A_564] : memref<128x16000xf32, #tpu.memory_space<vmem>>, vector<128x128xf32>
    %min3A_566 = arith.minimumf %max3A_562, %get3A_565 : vector<128x128xf32>
    %max3A_567 = arith.maximumf %max3A_561, %min3A_566 : vector<128x128xf32>
    %max3A_568 = arith.maximumf %max3A_562, %get3A_565 : vector<128x128xf32>
    %get3A_569 = arith.constant 0 : index
    %get3A_570 = arith.constant 12032 : index
    %get3A_571 = vector.load %arg2[%get3A_569, %get3A_570] : memref<128x16000xf32, #tpu.memory_space<vmem>>, vector<128x128xf32>
    %min3A_572 = arith.minimumf %max3A_568, %get3A_571 : vector<128x128xf32>
    %max3A_573 = arith.maximumf %max3A_567, %min3A_572 : vector<128x128xf32>
    %max3A_574 = arith.maximumf %max3A_568, %get3A_571 : vector<128x128xf32>
    %get3A_575 = arith.constant 0 : index
    %get3A_576 = arith.constant 12160 : index
    %get3A_577 = vector.load %arg2[%get3A_575, %get3A_576] : memref<128x16000xf32, #tpu.memory_space<vmem>>, vector<128x128xf32>
    %min3A_578 = arith.minimumf %max3A_574, %get3A_577 : vector<128x128xf32>
    %max3A_579 = arith.maximumf %max3A_573, %min3A_578 : vector<128x128xf32>
    %max3A_580 = arith.maximumf %max3A_574, %get3A_577 : vector<128x128xf32>
    %get3A_581 = arith.constant 0 : index
    %get3A_582 = arith.constant 12288 : index
    %get3A_583 = vector.load %arg2[%get3A_581, %get3A_582] : memref<128x16000xf32, #tpu.memory_space<vmem>>, vector<128x128xf32>
    %min3A_584 = arith.minimumf %max3A_580, %get3A_583 : vector<128x128xf32>
    %max3A_585 = arith.maximumf %max3A_579, %min3A_584 : vector<128x128xf32>
    %max3A_586 = arith.maximumf %max3A_580, %get3A_583 : vector<128x128xf32>
    %get3A_587 = arith.constant 0 : index
    %get3A_588 = arith.constant 12416 : index
    %get3A_589 = vector.load %arg2[%get3A_587, %get3A_588] : memref<128x16000xf32, #tpu.memory_space<vmem>>, vector<128x128xf32>
    %min3A_590 = arith.minimumf %max3A_586, %get3A_589 : vector<128x128xf32>
    %max3A_591 = arith.maximumf %max3A_585, %min3A_590 : vector<128x128xf32>
    %max3A_592 = arith.maximumf %max3A_586, %get3A_589 : vector<128x128xf32>
    %get3A_593 = arith.constant 0 : index
    %get3A_594 = arith.constant 12544 : index
    %get3A_595 = vector.load %arg2[%get3A_593, %get3A_594] : memref<128x16000xf32, #tpu.memory_space<vmem>>, vector<128x128xf32>
    %min3A_596 = arith.minimumf %max3A_592, %get3A_595 : vector<128x128xf32>
    %max3A_597 = arith.maximumf %max3A_591, %min3A_596 : vector<128x128xf32>
    %max3A_598 = arith.maximumf %max3A_592, %get3A_595 : vector<128x128xf32>
    %get3A_599 = arith.constant 0 : index
    %get3A_600 = arith.constant 12672 : index
    %get3A_601 = vector.load %arg2[%get3A_599, %get3A_600] : memref<128x16000xf32, #tpu.memory_space<vmem>>, vector<128x128xf32>
    %min3A_602 = arith.minimumf %max3A_598, %get3A_601 : vector<128x128xf32>
    %max3A_603 = arith.maximumf %max3A_597, %min3A_602 : vector<128x128xf32>
    %max3A_604 = arith.maximumf %max3A_598, %get3A_601 : vector<128x128xf32>
    %get3A_605 = arith.constant 0 : index
    %get3A_606 = arith.constant 12800 : index
    %get3A_607 = vector.load %arg2[%get3A_605, %get3A_606] : memref<128x16000xf32, #tpu.memory_space<vmem>>, vector<128x128xf32>
    %min3A_608 = arith.minimumf %max3A_604, %get3A_607 : vector<128x128xf32>
    %max3A_609 = arith.maximumf %max3A_603, %min3A_608 : vector<128x128xf32>
    %max3A_610 = arith.maximumf %max3A_604, %get3A_607 : vector<128x128xf32>
    %get3A_611 = arith.constant 0 : index
    %get3A_612 = arith.constant 12928 : index
    %get3A_613 = vector.load %arg2[%get3A_611, %get3A_612] : memref<128x16000xf32, #tpu.memory_space<vmem>>, vector<128x128xf32>
    %min3A_614 = arith.minimumf %max3A_610, %get3A_613 : vector<128x128xf32>
    %max3A_615 = arith.maximumf %max3A_609, %min3A_614 : vector<128x128xf32>
    %max3A_616 = arith.maximumf %max3A_610, %get3A_613 : vector<128x128xf32>
    %get3A_617 = arith.constant 0 : index
    %get3A_618 = arith.constant 13056 : index
    %get3A_619 = vector.load %arg2[%get3A_617, %get3A_618] : memref<128x16000xf32, #tpu.memory_space<vmem>>, vector<128x128xf32>
    %min3A_620 = arith.minimumf %max3A_616, %get3A_619 : vector<128x128xf32>
    %max3A_621 = arith.maximumf %max3A_615, %min3A_620 : vector<128x128xf32>
    %max3A_622 = arith.maximumf %max3A_616, %get3A_619 : vector<128x128xf32>
    %get3A_623 = arith.constant 0 : index
    %get3A_624 = arith.constant 13184 : index
    %get3A_625 = vector.load %arg2[%get3A_623, %get3A_624] : memref<128x16000xf32, #tpu.memory_space<vmem>>, vector<128x128xf32>
    %min3A_626 = arith.minimumf %max3A_622, %get3A_625 : vector<128x128xf32>
    %max3A_627 = arith.maximumf %max3A_621, %min3A_626 : vector<128x128xf32>
    %max3A_628 = arith.maximumf %max3A_622, %get3A_625 : vector<128x128xf32>
    %get3A_629 = arith.constant 0 : index
    %get3A_630 = arith.constant 13312 : index
    %get3A_631 = vector.load %arg2[%get3A_629, %get3A_630] : memref<128x16000xf32, #tpu.memory_space<vmem>>, vector<128x128xf32>
    %min3A_632 = arith.minimumf %max3A_628, %get3A_631 : vector<128x128xf32>
    %max3A_633 = arith.maximumf %max3A_627, %min3A_632 : vector<128x128xf32>
    %max3A_634 = arith.maximumf %max3A_628, %get3A_631 : vector<128x128xf32>
    %get3A_635 = arith.constant 0 : index
    %get3A_636 = arith.constant 13440 : index
    %get3A_637 = vector.load %arg2[%get3A_635, %get3A_636] : memref<128x16000xf32, #tpu.memory_space<vmem>>, vector<128x128xf32>
    %min3A_638 = arith.minimumf %max3A_634, %get3A_637 : vector<128x128xf32>
    %max3A_639 = arith.maximumf %max3A_633, %min3A_638 : vector<128x128xf32>
    %max3A_640 = arith.maximumf %max3A_634, %get3A_637 : vector<128x128xf32>
    %get3A_641 = arith.constant 0 : index
    %get3A_642 = arith.constant 13568 : index
    %get3A_643 = vector.load %arg2[%get3A_641, %get3A_642] : memref<128x16000xf32, #tpu.memory_space<vmem>>, vector<128x128xf32>
    %min3A_644 = arith.minimumf %max3A_640, %get3A_643 : vector<128x128xf32>
    %max3A_645 = arith.maximumf %max3A_639, %min3A_644 : vector<128x128xf32>
    %max3A_646 = arith.maximumf %max3A_640, %get3A_643 : vector<128x128xf32>
    %get3A_647 = arith.constant 0 : index
    %get3A_648 = arith.constant 13696 : index
    %get3A_649 = vector.load %arg2[%get3A_647, %get3A_648] : memref<128x16000xf32, #tpu.memory_space<vmem>>, vector<128x128xf32>
    %min3A_650 = arith.minimumf %max3A_646, %get3A_649 : vector<128x128xf32>
    %max3A_651 = arith.maximumf %max3A_645, %min3A_650 : vector<128x128xf32>
    %max3A_652 = arith.maximumf %max3A_646, %get3A_649 : vector<128x128xf32>
    %get3A_653 = arith.constant 0 : index
    %get3A_654 = arith.constant 13824 : index
    %get3A_655 = vector.load %arg2[%get3A_653, %get3A_654] : memref<128x16000xf32, #tpu.memory_space<vmem>>, vector<128x128xf32>
    %min3A_656 = arith.minimumf %max3A_652, %get3A_655 : vector<128x128xf32>
    %max3A_657 = arith.maximumf %max3A_651, %min3A_656 : vector<128x128xf32>
    %max3A_658 = arith.maximumf %max3A_652, %get3A_655 : vector<128x128xf32>
    %get3A_659 = arith.constant 0 : index
    %get3A_660 = arith.constant 13952 : index
    %get3A_661 = vector.load %arg2[%get3A_659, %get3A_660] : memref<128x16000xf32, #tpu.memory_space<vmem>>, vector<128x128xf32>
    %min3A_662 = arith.minimumf %max3A_658, %get3A_661 : vector<128x128xf32>
    %max3A_663 = arith.maximumf %max3A_657, %min3A_662 : vector<128x128xf32>
    %max3A_664 = arith.maximumf %max3A_658, %get3A_661 : vector<128x128xf32>
    %get3A_665 = arith.constant 0 : index
    %get3A_666 = arith.constant 14080 : index
    %get3A_667 = vector.load %arg2[%get3A_665, %get3A_666] : memref<128x16000xf32, #tpu.memory_space<vmem>>, vector<128x128xf32>
    %min3A_668 = arith.minimumf %max3A_664, %get3A_667 : vector<128x128xf32>
    %max3A_669 = arith.maximumf %max3A_663, %min3A_668 : vector<128x128xf32>
    %max3A_670 = arith.maximumf %max3A_664, %get3A_667 : vector<128x128xf32>
    %get3A_671 = arith.constant 0 : index
    %get3A_672 = arith.constant 14208 : index
    %get3A_673 = vector.load %arg2[%get3A_671, %get3A_672] : memref<128x16000xf32, #tpu.memory_space<vmem>>, vector<128x128xf32>
    %min3A_674 = arith.minimumf %max3A_670, %get3A_673 : vector<128x128xf32>
    %max3A_675 = arith.maximumf %max3A_669, %min3A_674 : vector<128x128xf32>
    %max3A_676 = arith.maximumf %max3A_670, %get3A_673 : vector<128x128xf32>
    %get3A_677 = arith.constant 0 : index
    %get3A_678 = arith.constant 14336 : index
    %get3A_679 = vector.load %arg2[%get3A_677, %get3A_678] : memref<128x16000xf32, #tpu.memory_space<vmem>>, vector<128x128xf32>
    %min3A_680 = arith.minimumf %max3A_676, %get3A_679 : vector<128x128xf32>
    %max3A_681 = arith.maximumf %max3A_675, %min3A_680 : vector<128x128xf32>
    %max3A_682 = arith.maximumf %max3A_676, %get3A_679 : vector<128x128xf32>
    %get3A_683 = arith.constant 0 : index
    %get3A_684 = arith.constant 14464 : index
    %get3A_685 = vector.load %arg2[%get3A_683, %get3A_684] : memref<128x16000xf32, #tpu.memory_space<vmem>>, vector<128x128xf32>
    %min3A_686 = arith.minimumf %max3A_682, %get3A_685 : vector<128x128xf32>
    %max3A_687 = arith.maximumf %max3A_681, %min3A_686 : vector<128x128xf32>
    %max3A_688 = arith.maximumf %max3A_682, %get3A_685 : vector<128x128xf32>
    %get3A_689 = arith.constant 0 : index
    %get3A_690 = arith.constant 14592 : index
    %get3A_691 = vector.load %arg2[%get3A_689, %get3A_690] : memref<128x16000xf32, #tpu.memory_space<vmem>>, vector<128x128xf32>
    %min3A_692 = arith.minimumf %max3A_688, %get3A_691 : vector<128x128xf32>
    %max3A_693 = arith.maximumf %max3A_687, %min3A_692 : vector<128x128xf32>
    %max3A_694 = arith.maximumf %max3A_688, %get3A_691 : vector<128x128xf32>
    %get3A_695 = arith.constant 0 : index
    %get3A_696 = arith.constant 14720 : index
    %get3A_697 = vector.load %arg2[%get3A_695, %get3A_696] : memref<128x16000xf32, #tpu.memory_space<vmem>>, vector<128x128xf32>
    %min3A_698 = arith.minimumf %max3A_694, %get3A_697 : vector<128x128xf32>
    %max3A_699 = arith.maximumf %max3A_693, %min3A_698 : vector<128x128xf32>
    %max3A_700 = arith.maximumf %max3A_694, %get3A_697 : vector<128x128xf32>
    %get3A_701 = arith.constant 0 : index
    %get3A_702 = arith.constant 14848 : index
    %get3A_703 = vector.load %arg2[%get3A_701, %get3A_702] : memref<128x16000xf32, #tpu.memory_space<vmem>>, vector<128x128xf32>
    %min3A_704 = arith.minimumf %max3A_700, %get3A_703 : vector<128x128xf32>
    %max3A_705 = arith.maximumf %max3A_699, %min3A_704 : vector<128x128xf32>
    %max3A_706 = arith.maximumf %max3A_700, %get3A_703 : vector<128x128xf32>
    %get3A_707 = arith.constant 0 : index
    %get3A_708 = arith.constant 14976 : index
    %get3A_709 = vector.load %arg2[%get3A_707, %get3A_708] : memref<128x16000xf32, #tpu.memory_space<vmem>>, vector<128x128xf32>
    %min3A_710 = arith.minimumf %max3A_706, %get3A_709 : vector<128x128xf32>
    %max3A_711 = arith.maximumf %max3A_705, %min3A_710 : vector<128x128xf32>
    %max3A_712 = arith.maximumf %max3A_706, %get3A_709 : vector<128x128xf32>
    %get3A_713 = arith.constant 0 : index
    %get3A_714 = arith.constant 15104 : index
    %get3A_715 = vector.load %arg2[%get3A_713, %get3A_714] : memref<128x16000xf32, #tpu.memory_space<vmem>>, vector<128x128xf32>
    %min3A_716 = arith.minimumf %max3A_712, %get3A_715 : vector<128x128xf32>
    %max3A_717 = arith.maximumf %max3A_711, %min3A_716 : vector<128x128xf32>
    %max3A_718 = arith.maximumf %max3A_712, %get3A_715 : vector<128x128xf32>
    %get3A_719 = arith.constant 0 : index
    %get3A_720 = arith.constant 15232 : index
    %get3A_721 = vector.load %arg2[%get3A_719, %get3A_720] : memref<128x16000xf32, #tpu.memory_space<vmem>>, vector<128x128xf32>
    %min3A_722 = arith.minimumf %max3A_718, %get3A_721 : vector<128x128xf32>
    %max3A_723 = arith.maximumf %max3A_717, %min3A_722 : vector<128x128xf32>
    %max3A_724 = arith.maximumf %max3A_718, %get3A_721 : vector<128x128xf32>
    %get3A_725 = arith.constant 0 : index
    %get3A_726 = arith.constant 15360 : index
    %get3A_727 = vector.load %arg2[%get3A_725, %get3A_726] : memref<128x16000xf32, #tpu.memory_space<vmem>>, vector<128x128xf32>
    %min3A_728 = arith.minimumf %max3A_724, %get3A_727 : vector<128x128xf32>
    %max3A_729 = arith.maximumf %max3A_723, %min3A_728 : vector<128x128xf32>
    %max3A_730 = arith.maximumf %max3A_724, %get3A_727 : vector<128x128xf32>
    %get3A_731 = arith.constant 0 : index
    %get3A_732 = arith.constant 15488 : index
    %get3A_733 = vector.load %arg2[%get3A_731, %get3A_732] : memref<128x16000xf32, #tpu.memory_space<vmem>>, vector<128x128xf32>
    %min3A_734 = arith.minimumf %max3A_730, %get3A_733 : vector<128x128xf32>
    %max3A_735 = arith.maximumf %max3A_729, %min3A_734 : vector<128x128xf32>
    %max3A_736 = arith.maximumf %max3A_730, %get3A_733 : vector<128x128xf32>
    %get3A_737 = arith.constant 0 : index
    %get3A_738 = arith.constant 15616 : index
    %get3A_739 = vector.load %arg2[%get3A_737, %get3A_738] : memref<128x16000xf32, #tpu.memory_space<vmem>>, vector<128x128xf32>
    %min3A_740 = arith.minimumf %max3A_736, %get3A_739 : vector<128x128xf32>
    %max3A_741 = arith.maximumf %max3A_735, %min3A_740 : vector<128x128xf32>
    %max3A_742 = arith.maximumf %max3A_736, %get3A_739 : vector<128x128xf32>
    %get3A_743 = arith.constant 0 : index
    %get3A_744 = arith.constant 15744 : index
    %get3A_745 = vector.load %arg2[%get3A_743, %get3A_744] : memref<128x16000xf32, #tpu.memory_space<vmem>>, vector<128x128xf32>
    %min3A_746 = arith.minimumf %max3A_742, %get3A_745 : vector<128x128xf32>
    %max3A_747 = arith.maximumf %max3A_741, %min3A_746 : vector<128x128xf32>
    %max3A_748 = arith.maximumf %max3A_742, %get3A_745 : vector<128x128xf32>
    %get3A_749 = arith.constant 0 : index
    %get3A_750 = arith.constant 15872 : index
    %get3A_751 = vector.load %arg2[%get3A_749, %get3A_750] : memref<128x16000xf32, #tpu.memory_space<vmem>>, vector<128x128xf32>
    %min3A_752 = arith.minimumf %max3A_748, %get3A_751 : vector<128x128xf32>
    %max3A_753 = arith.maximumf %max3A_747, %min3A_752 : vector<128x128xf32>
    %max3A_754 = arith.maximumf %max3A_748, %get3A_751 : vector<128x128xf32>
    %swap3A = arith.constant 0 : index
    %swap3A_755 = arith.constant 0 : index
    %swap3A_756 = vector.load %arg6[%swap3A, %swap3A_755] : memref<128x128xf32, #tpu.memory_space<vmem>>, vector<128x128xf32>
    tpu.vector_store %arg6[%swap3A, %swap3A_755], %max3A_754 {strides = array<i32>} : memref<128x128xf32, #tpu.memory_space<vmem>>, vector<128x128xf32>,
    %swap3A_757 = arith.constant 0 : index
    %swap3A_758 = arith.constant 0 : index
    %swap3A_759 = vector.load %arg7[%swap3A_757, %swap3A_758] : memref<128x128xf32, #tpu.memory_space<vmem>>, vector<128x128xf32>
    tpu.vector_store %arg7[%swap3A_757, %swap3A_758], %max3A_753 {strides = array<i32>} : memref<128x128xf32, #tpu.memory_space<vmem>>, vector<128x128xf32>,
    %sub3A = arith.subf %get3A_3, %max3A_754 : vector<128x128xf32>
    %exp3A = math.exp %sub3A : vector<128x128xf32>
    %get3A_760 = arith.constant 0 : index
    %get3A_761 = arith.constant 0 : index
    %get3A_762 = vector.load %arg8[%get3A_760, %get3A_761] : memref<128x128xf32, #tpu.memory_space<vmem>>, vector<128x128xf32>
    %mul3A = arith.mulf %get3A_762, %exp3A : vector<128x128xf32>
    %get3A_763 = arith.constant 0 : index
    %get3A_764 = arith.constant 0 : index
    %get3A_765 = vector.load %arg9[%get3A_763, %get3A_764] : memref<128x128xf32, #tpu.memory_space<vmem>>, vector<128x128xf32>
    %mul3A_766 = arith.mulf %get3A_765, %exp3A : vector<128x128xf32>
    %get3A_767 = arith.constant 0 : index
    %get3A_768 = arith.constant 0 : index
    %get3A_769 = vector.load %arg2[%get3A_767, %get3A_768] : memref<128x16000xf32, #tpu.memory_space<vmem>>, vector<128x128xf32>
    %sub3A_770 = arith.subf %get3A_769, %max3A_754 : vector<128x128xf32>
    %exp3A_771 = math.exp %sub3A_770 : vector<128x128xf32>
    %add3A = arith.addf %mul3A, %exp3A_771 : vector<128x128xf32>
    %mul3A_772 = arith.mulf %exp3A_771, %get3A_769 : vector<128x128xf32>
    %add3A_773 = arith.addf %mul3A_766, %mul3A_772 : vector<128x128xf32>
    %get3A_774 = arith.constant 0 : index
    %get3A_775 = arith.constant 128 : index
    %get3A_776 = vector.load %arg2[%get3A_774, %get3A_775] : memref<128x16000xf32, #tpu.memory_space<vmem>>, vector<128x128xf32>
    %sub3A_777 = arith.subf %get3A_776, %max3A_754 : vector<128x128xf32>
    %exp3A_778 = math.exp %sub3A_777 : vector<128x128xf32>
    %add3A_779 = arith.addf %add3A, %exp3A_778 : vector<128x128xf32>
    %mul3A_780 = arith.mulf %exp3A_778, %get3A_776 : vector<128x128xf32>
    %add3A_781 = arith.addf %add3A_773, %mul3A_780 : vector<128x128xf32>
    %get3A_782 = arith.constant 0 : index
    %get3A_783 = arith.constant 256 : index
    %get3A_784 = vector.load %arg2[%get3A_782, %get3A_783] : memref<128x16000xf32, #tpu.memory_space<vmem>>, vector<128x128xf32>
    %sub3A_785 = arith.subf %get3A_784, %max3A_754 : vector<128x128xf32>
    %exp3A_786 = math.exp %sub3A_785 : vector<128x128xf32>
    %add3A_787 = arith.addf %add3A_779, %exp3A_786 : vector<128x128xf32>
    %mul3A_788 = arith.mulf %exp3A_786, %get3A_784 : vector<128x128xf32>
    %add3A_789 = arith.addf %add3A_781, %mul3A_788 : vector<128x128xf32>
    %get3A_790 = arith.constant 0 : index
    %get3A_791 = arith.constant 384 : index
    %get3A_792 = vector.load %arg2[%get3A_790, %get3A_791] : memref<128x16000xf32, #tpu.memory_space<vmem>>, vector<128x128xf32>
    %sub3A_793 = arith.subf %get3A_792, %max3A_754 : vector<128x128xf32>
    %exp3A_794 = math.exp %sub3A_793 : vector<128x128xf32>
    %add3A_795 = arith.addf %add3A_787, %exp3A_794 : vector<128x128xf32>
    %mul3A_796 = arith.mulf %exp3A_794, %get3A_792 : vector<128x128xf32>
    %add3A_797 = arith.addf %add3A_789, %mul3A_796 : vector<128x128xf32>
    %get3A_798 = arith.constant 0 : index
    %get3A_799 = arith.constant 512 : index
    %get3A_800 = vector.load %arg2[%get3A_798, %get3A_799] : memref<128x16000xf32, #tpu.memory_space<vmem>>, vector<128x128xf32>
    %sub3A_801 = arith.subf %get3A_800, %max3A_754 : vector<128x128xf32>
    %exp3A_802 = math.exp %sub3A_801 : vector<128x128xf32>
    %add3A_803 = arith.addf %add3A_795, %exp3A_802 : vector<128x128xf32>
    %mul3A_804 = arith.mulf %exp3A_802, %get3A_800 : vector<128x128xf32>
    %add3A_805 = arith.addf %add3A_797, %mul3A_804 : vector<128x128xf32>
    %get3A_806 = arith.constant 0 : index
    %get3A_807 = arith.constant 640 : index
    %get3A_808 = vector.load %arg2[%get3A_806, %get3A_807] : memref<128x16000xf32, #tpu.memory_space<vmem>>, vector<128x128xf32>
    %sub3A_809 = arith.subf %get3A_808, %max3A_754 : vector<128x128xf32>
    %exp3A_810 = math.exp %sub3A_809 : vector<128x128xf32>
    %add3A_811 = arith.addf %add3A_803, %exp3A_810 : vector<128x128xf32>
    %mul3A_812 = arith.mulf %exp3A_810, %get3A_808 : vector<128x128xf32>
    %add3A_813 = arith.addf %add3A_805, %mul3A_812 : vector<128x128xf32>
    %get3A_814 = arith.constant 0 : index
    %get3A_815 = arith.constant 768 : index
    %get3A_816 = vector.load %arg2[%get3A_814, %get3A_815] : memref<128x16000xf32, #tpu.memory_space<vmem>>, vector<128x128xf32>
    %sub3A_817 = arith.subf %get3A_816, %max3A_754 : vector<128x128xf32>
    %exp3A_818 = math.exp %sub3A_817 : vector<128x128xf32>
    %add3A_819 = arith.addf %add3A_811, %exp3A_818 : vector<128x128xf32>
    %mul3A_820 = arith.mulf %exp3A_818, %get3A_816 : vector<128x128xf32>
    %add3A_821 = arith.addf %add3A_813, %mul3A_820 : vector<128x128xf32>
    %get3A_822 = arith.constant 0 : index
    %get3A_823 = arith.constant 896 : index
    %get3A_824 = vector.load %arg2[%get3A_822, %get3A_823] : memref<128x16000xf32, #tpu.memory_space<vmem>>, vector<128x128xf32>
    %sub3A_825 = arith.subf %get3A_824, %max3A_754 : vector<128x128xf32>
    %exp3A_826 = math.exp %sub3A_825 : vector<128x128xf32>
    %add3A_827 = arith.addf %add3A_819, %exp3A_826 : vector<128x128xf32>
    %mul3A_828 = arith.mulf %exp3A_826, %get3A_824 : vector<128x128xf32>
    %add3A_829 = arith.addf %add3A_821, %mul3A_828 : vector<128x128xf32>
    %get3A_830 = arith.constant 0 : index
    %get3A_831 = arith.constant 1024 : index
    %get3A_832 = vector.load %arg2[%get3A_830, %get3A_831] : memref<128x16000xf32, #tpu.memory_space<vmem>>, vector<128x128xf32>
    %sub3A_833 = arith.subf %get3A_832, %max3A_754 : vector<128x128xf32>
    %exp3A_834 = math.exp %sub3A_833 : vector<128x128xf32>
    %add3A_835 = arith.addf %add3A_827, %exp3A_834 : vector<128x128xf32>
    %mul3A_836 = arith.mulf %exp3A_834, %get3A_832 : vector<128x128xf32>
    %add3A_837 = arith.addf %add3A_829, %mul3A_836 : vector<128x128xf32>
    %get3A_838 = arith.constant 0 : index
    %get3A_839 = arith.constant 1152 : index
    %get3A_840 = vector.load %arg2[%get3A_838, %get3A_839] : memref<128x16000xf32, #tpu.memory_space<vmem>>, vector<128x128xf32>
    %sub3A_841 = arith.subf %get3A_840, %max3A_754 : vector<128x128xf32>
    %exp3A_842 = math.exp %sub3A_841 : vector<128x128xf32>
    %add3A_843 = arith.addf %add3A_835, %exp3A_842 : vector<128x128xf32>
    %mul3A_844 = arith.mulf %exp3A_842, %get3A_840 : vector<128x128xf32>
    %add3A_845 = arith.addf %add3A_837, %mul3A_844 : vector<128x128xf32>
    %get3A_846 = arith.constant 0 : index
    %get3A_847 = arith.constant 1280 : index
    %get3A_848 = vector.load %arg2[%get3A_846, %get3A_847] : memref<128x16000xf32, #tpu.memory_space<vmem>>, vector<128x128xf32>
    %sub3A_849 = arith.subf %get3A_848, %max3A_754 : vector<128x128xf32>
    %exp3A_850 = math.exp %sub3A_849 : vector<128x128xf32>
    %add3A_851 = arith.addf %add3A_843, %exp3A_850 : vector<128x128xf32>
    %mul3A_852 = arith.mulf %exp3A_850, %get3A_848 : vector<128x128xf32>
    %add3A_853 = arith.addf %add3A_845, %mul3A_852 : vector<128x128xf32>
    %get3A_854 = arith.constant 0 : index
    %get3A_855 = arith.constant 1408 : index
    %get3A_856 = vector.load %arg2[%get3A_854, %get3A_855] : memref<128x16000xf32, #tpu.memory_space<vmem>>, vector<128x128xf32>
    %sub3A_857 = arith.subf %get3A_856, %max3A_754 : vector<128x128xf32>
    %exp3A_858 = math.exp %sub3A_857 : vector<128x128xf32>
    %add3A_859 = arith.addf %add3A_851, %exp3A_858 : vector<128x128xf32>
    %mul3A_860 = arith.mulf %exp3A_858, %get3A_856 : vector<128x128xf32>
    %add3A_861 = arith.addf %add3A_853, %mul3A_860 : vector<128x128xf32>
    %get3A_862 = arith.constant 0 : index
    %get3A_863 = arith.constant 1536 : index
    %get3A_864 = vector.load %arg2[%get3A_862, %get3A_863] : memref<128x16000xf32, #tpu.memory_space<vmem>>, vector<128x128xf32>
    %sub3A_865 = arith.subf %get3A_864, %max3A_754 : vector<128x128xf32>
    %exp3A_866 = math.exp %sub3A_865 : vector<128x128xf32>
    %add3A_867 = arith.addf %add3A_859, %exp3A_866 : vector<128x128xf32>
    %mul3A_868 = arith.mulf %exp3A_866, %get3A_864 : vector<128x128xf32>
    %add3A_869 = arith.addf %add3A_861, %mul3A_868 : vector<128x128xf32>
    %get3A_870 = arith.constant 0 : index
    %get3A_871 = arith.constant 1664 : index
    %get3A_872 = vector.load %arg2[%get3A_870, %get3A_871] : memref<128x16000xf32, #tpu.memory_space<vmem>>, vector<128x128xf32>
    %sub3A_873 = arith.subf %get3A_872, %max3A_754 : vector<128x128xf32>
    %exp3A_874 = math.exp %sub3A_873 : vector<128x128xf32>
    %add3A_875 = arith.addf %add3A_867, %exp3A_874 : vector<128x128xf32>
    %mul3A_876 = arith.mulf %exp3A_874, %get3A_872 : vector<128x128xf32>
    %add3A_877 = arith.addf %add3A_869, %mul3A_876 : vector<128x128xf32>
    %get3A_878 = arith.constant 0 : index
    %get3A_879 = arith.constant 1792 : index
    %get3A_880 = vector.load %arg2[%get3A_878, %get3A_879] : memref<128x16000xf32, #tpu.memory_space<vmem>>, vector<128x128xf32>
    %sub3A_881 = arith.subf %get3A_880, %max3A_754 : vector<128x128xf32>
    %exp3A_882 = math.exp %sub3A_881 : vector<128x128xf32>
    %add3A_883 = arith.addf %add3A_875, %exp3A_882 : vector<128x128xf32>
    %mul3A_884 = arith.mulf %exp3A_882, %get3A_880 : vector<128x128xf32>
    %add3A_885 = arith.addf %add3A_877, %mul3A_884 : vector<128x128xf32>
    %get3A_886 = arith.constant 0 : index
    %get3A_887 = arith.constant 1920 : index
    %get3A_888 = vector.load %arg2[%get3A_886, %get3A_887] : memref<128x16000xf32, #tpu.memory_space<vmem>>, vector<128x128xf32>
    %sub3A_889 = arith.subf %get3A_888, %max3A_754 : vector<128x128xf32>
    %exp3A_890 = math.exp %sub3A_889 : vector<128x128xf32>
    %add3A_891 = arith.addf %add3A_883, %exp3A_890 : vector<128x128xf32>
    %mul3A_892 = arith.mulf %exp3A_890, %get3A_888 : vector<128x128xf32>
    %add3A_893 = arith.addf %add3A_885, %mul3A_892 : vector<128x128xf32>
    %get3A_894 = arith.constant 0 : index
    %get3A_895 = arith.constant 2048 : index
    %get3A_896 = vector.load %arg2[%get3A_894, %get3A_895] : memref<128x16000xf32, #tpu.memory_space<vmem>>, vector<128x128xf32>
    %sub3A_897 = arith.subf %get3A_896, %max3A_754 : vector<128x128xf32>
    %exp3A_898 = math.exp %sub3A_897 : vector<128x128xf32>
    %add3A_899 = arith.addf %add3A_891, %exp3A_898 : vector<128x128xf32>
    %mul3A_900 = arith.mulf %exp3A_898, %get3A_896 : vector<128x128xf32>
    %add3A_901 = arith.addf %add3A_893, %mul3A_900 : vector<128x128xf32>
    %get3A_902 = arith.constant 0 : index
    %get3A_903 = arith.constant 2176 : index
    %get3A_904 = vector.load %arg2[%get3A_902, %get3A_903] : memref<128x16000xf32, #tpu.memory_space<vmem>>, vector<128x128xf32>
    %sub3A_905 = arith.subf %get3A_904, %max3A_754 : vector<128x128xf32>
    %exp3A_906 = math.exp %sub3A_905 : vector<128x128xf32>
    %add3A_907 = arith.addf %add3A_899, %exp3A_906 : vector<128x128xf32>
    %mul3A_908 = arith.mulf %exp3A_906, %get3A_904 : vector<128x128xf32>
    %add3A_909 = arith.addf %add3A_901, %mul3A_908 : vector<128x128xf32>
    %get3A_910 = arith.constant 0 : index
    %get3A_911 = arith.constant 2304 : index
    %get3A_912 = vector.load %arg2[%get3A_910, %get3A_911] : memref<128x16000xf32, #tpu.memory_space<vmem>>, vector<128x128xf32>
    %sub3A_913 = arith.subf %get3A_912, %max3A_754 : vector<128x128xf32>
    %exp3A_914 = math.exp %sub3A_913 : vector<128x128xf32>
    %add3A_915 = arith.addf %add3A_907, %exp3A_914 : vector<128x128xf32>
    %mul3A_916 = arith.mulf %exp3A_914, %get3A_912 : vector<128x128xf32>
    %add3A_917 = arith.addf %add3A_909, %mul3A_916 : vector<128x128xf32>
    %get3A_918 = arith.constant 0 : index
    %get3A_919 = arith.constant 2432 : index
    %get3A_920 = vector.load %arg2[%get3A_918, %get3A_919] : memref<128x16000xf32, #tpu.memory_space<vmem>>, vector<128x128xf32>
    %sub3A_921 = arith.subf %get3A_920, %max3A_754 : vector<128x128xf32>
    %exp3A_922 = math.exp %sub3A_921 : vector<128x128xf32>
    %add3A_923 = arith.addf %add3A_915, %exp3A_922 : vector<128x128xf32>
    %mul3A_924 = arith.mulf %exp3A_922, %get3A_920 : vector<128x128xf32>
    %add3A_925 = arith.addf %add3A_917, %mul3A_924 : vector<128x128xf32>
    %get3A_926 = arith.constant 0 : index
    %get3A_927 = arith.constant 2560 : index
    %get3A_928 = vector.load %arg2[%get3A_926, %get3A_927] : memref<128x16000xf32, #tpu.memory_space<vmem>>, vector<128x128xf32>
    %sub3A_929 = arith.subf %get3A_928, %max3A_754 : vector<128x128xf32>
    %exp3A_930 = math.exp %sub3A_929 : vector<128x128xf32>
    %add3A_931 = arith.addf %add3A_923, %exp3A_930 : vector<128x128xf32>
    %mul3A_932 = arith.mulf %exp3A_930, %get3A_928 : vector<128x128xf32>
    %add3A_933 = arith.addf %add3A_925, %mul3A_932 : vector<128x128xf32>
    %get3A_934 = arith.constant 0 : index
    %get3A_935 = arith.constant 2688 : index
    %get3A_936 = vector.load %arg2[%get3A_934, %get3A_935] : memref<128x16000xf32, #tpu.memory_space<vmem>>, vector<128x128xf32>
    %sub3A_937 = arith.subf %get3A_936, %max3A_754 : vector<128x128xf32>
    %exp3A_938 = math.exp %sub3A_937 : vector<128x128xf32>
    %add3A_939 = arith.addf %add3A_931, %exp3A_938 : vector<128x128xf32>
    %mul3A_940 = arith.mulf %exp3A_938, %get3A_936 : vector<128x128xf32>
    %add3A_941 = arith.addf %add3A_933, %mul3A_940 : vector<128x128xf32>
    %get3A_942 = arith.constant 0 : index
    %get3A_943 = arith.constant 2816 : index
    %get3A_944 = vector.load %arg2[%get3A_942, %get3A_943] : memref<128x16000xf32, #tpu.memory_space<vmem>>, vector<128x128xf32>
    %sub3A_945 = arith.subf %get3A_944, %max3A_754 : vector<128x128xf32>
    %exp3A_946 = math.exp %sub3A_945 : vector<128x128xf32>
    %add3A_947 = arith.addf %add3A_939, %exp3A_946 : vector<128x128xf32>
    %mul3A_948 = arith.mulf %exp3A_946, %get3A_944 : vector<128x128xf32>
    %add3A_949 = arith.addf %add3A_941, %mul3A_948 : vector<128x128xf32>
    %get3A_950 = arith.constant 0 : index
    %get3A_951 = arith.constant 2944 : index
    %get3A_952 = vector.load %arg2[%get3A_950, %get3A_951] : memref<128x16000xf32, #tpu.memory_space<vmem>>, vector<128x128xf32>
    %sub3A_953 = arith.subf %get3A_952, %max3A_754 : vector<128x128xf32>
    %exp3A_954 = math.exp %sub3A_953 : vector<128x128xf32>
    %add3A_955 = arith.addf %add3A_947, %exp3A_954 : vector<128x128xf32>
    %mul3A_956 = arith.mulf %exp3A_954, %get3A_952 : vector<128x128xf32>
    %add3A_957 = arith.addf %add3A_949, %mul3A_956 : vector<128x128xf32>
    %get3A_958 = arith.constant 0 : index
    %get3A_959 = arith.constant 3072 : index
    %get3A_960 = vector.load %arg2[%get3A_958, %get3A_959] : memref<128x16000xf32, #tpu.memory_space<vmem>>, vector<128x128xf32>
    %sub3A_961 = arith.subf %get3A_960, %max3A_754 : vector<128x128xf32>
    %exp3A_962 = math.exp %sub3A_961 : vector<128x128xf32>
    %add3A_963 = arith.addf %add3A_955, %exp3A_962 : vector<128x128xf32>
    %mul3A_964 = arith.mulf %exp3A_962, %get3A_960 : vector<128x128xf32>
    %add3A_965 = arith.addf %add3A_957, %mul3A_964 : vector<128x128xf32>
    %get3A_966 = arith.constant 0 : index
    %get3A_967 = arith.constant 3200 : index
    %get3A_968 = vector.load %arg2[%get3A_966, %get3A_967] : memref<128x16000xf32, #tpu.memory_space<vmem>>, vector<128x128xf32>
    %sub3A_969 = arith.subf %get3A_968, %max3A_754 : vector<128x128xf32>
    %exp3A_970 = math.exp %sub3A_969 : vector<128x128xf32>
    %add3A_971 = arith.addf %add3A_963, %exp3A_970 : vector<128x128xf32>
    %mul3A_972 = arith.mulf %exp3A_970, %get3A_968 : vector<128x128xf32>
    %add3A_973 = arith.addf %add3A_965, %mul3A_972 : vector<128x128xf32>
    %get3A_974 = arith.constant 0 : index
    %get3A_975 = arith.constant 3328 : index
    %get3A_976 = vector.load %arg2[%get3A_974, %get3A_975] : memref<128x16000xf32, #tpu.memory_space<vmem>>, vector<128x128xf32>
    %sub3A_977 = arith.subf %get3A_976, %max3A_754 : vector<128x128xf32>
    %exp3A_978 = math.exp %sub3A_977 : vector<128x128xf32>
    %add3A_979 = arith.addf %add3A_971, %exp3A_978 : vector<128x128xf32>
    %mul3A_980 = arith.mulf %exp3A_978, %get3A_976 : vector<128x128xf32>
    %add3A_981 = arith.addf %add3A_973, %mul3A_980 : vector<128x128xf32>
    %get3A_982 = arith.constant 0 : index
    %get3A_983 = arith.constant 3456 : index
    %get3A_984 = vector.load %arg2[%get3A_982, %get3A_983] : memref<128x16000xf32, #tpu.memory_space<vmem>>, vector<128x128xf32>
    %sub3A_985 = arith.subf %get3A_984, %max3A_754 : vector<128x128xf32>
    %exp3A_986 = math.exp %sub3A_985 : vector<128x128xf32>
    %add3A_987 = arith.addf %add3A_979, %exp3A_986 : vector<128x128xf32>
    %mul3A_988 = arith.mulf %exp3A_986, %get3A_984 : vector<128x128xf32>
    %add3A_989 = arith.addf %add3A_981, %mul3A_988 : vector<128x128xf32>
    %get3A_990 = arith.constant 0 : index
    %get3A_991 = arith.constant 3584 : index
    %get3A_992 = vector.load %arg2[%get3A_990, %get3A_991] : memref<128x16000xf32, #tpu.memory_space<vmem>>, vector<128x128xf32>
    %sub3A_993 = arith.subf %get3A_992, %max3A_754 : vector<128x128xf32>
    %exp3A_994 = math.exp %sub3A_993 : vector<128x128xf32>
    %add3A_995 = arith.addf %add3A_987, %exp3A_994 : vector<128x128xf32>
    %mul3A_996 = arith.mulf %exp3A_994, %get3A_992 : vector<128x128xf32>
    %add3A_997 = arith.addf %add3A_989, %mul3A_996 : vector<128x128xf32>
    %get3A_998 = arith.constant 0 : index
    %get3A_999 = arith.constant 3712 : index
    %get3A_1000 = vector.load %arg2[%get3A_998, %get3A_999] : memref<128x16000xf32, #tpu.memory_space<vmem>>, vector<128x128xf32>
    %sub3A_1001 = arith.subf %get3A_1000, %max3A_754 : vector<128x128xf32>
    %exp3A_1002 = math.exp %sub3A_1001 : vector<128x128xf32>
    %add3A_1003 = arith.addf %add3A_995, %exp3A_1002 : vector<128x128xf32>
    %mul3A_1004 = arith.mulf %exp3A_1002, %get3A_1000 : vector<128x128xf32>
    %add3A_1005 = arith.addf %add3A_997, %mul3A_1004 : vector<128x128xf32>
    %get3A_1006 = arith.constant 0 : index
    %get3A_1007 = arith.constant 3840 : index
    %get3A_1008 = vector.load %arg2[%get3A_1006, %get3A_1007] : memref<128x16000xf32, #tpu.memory_space<vmem>>, vector<128x128xf32>
    %sub3A_1009 = arith.subf %get3A_1008, %max3A_754 : vector<128x128xf32>
    %exp3A_1010 = math.exp %sub3A_1009 : vector<128x128xf32>
    %add3A_1011 = arith.addf %add3A_1003, %exp3A_1010 : vector<128x128xf32>
    %mul3A_1012 = arith.mulf %exp3A_1010, %get3A_1008 : vector<128x128xf32>
    %add3A_1013 = arith.addf %add3A_1005, %mul3A_1012 : vector<128x128xf32>
    %get3A_1014 = arith.constant 0 : index
    %get3A_1015 = arith.constant 3968 : index
    %get3A_1016 = vector.load %arg2[%get3A_1014, %get3A_1015] : memref<128x16000xf32, #tpu.memory_space<vmem>>, vector<128x128xf32>
    %sub3A_1017 = arith.subf %get3A_1016, %max3A_754 : vector<128x128xf32>
    %exp3A_1018 = math.exp %sub3A_1017 : vector<128x128xf32>
    %add3A_1019 = arith.addf %add3A_1011, %exp3A_1018 : vector<128x128xf32>
    %mul3A_1020 = arith.mulf %exp3A_1018, %get3A_1016 : vector<128x128xf32>
    %add3A_1021 = arith.addf %add3A_1013, %mul3A_1020 : vector<128x128xf32>
    %get3A_1022 = arith.constant 0 : index
    %get3A_1023 = arith.constant 4096 : index
    %get3A_1024 = vector.load %arg2[%get3A_1022, %get3A_1023] : memref<128x16000xf32, #tpu.memory_space<vmem>>, vector<128x128xf32>
    %sub3A_1025 = arith.subf %get3A_1024, %max3A_754 : vector<128x128xf32>
    %exp3A_1026 = math.exp %sub3A_1025 : vector<128x128xf32>
    %add3A_1027 = arith.addf %add3A_1019, %exp3A_1026 : vector<128x128xf32>
    %mul3A_1028 = arith.mulf %exp3A_1026, %get3A_1024 : vector<128x128xf32>
    %add3A_1029 = arith.addf %add3A_1021, %mul3A_1028 : vector<128x128xf32>
    %get3A_1030 = arith.constant 0 : index
    %get3A_1031 = arith.constant 4224 : index
    %get3A_1032 = vector.load %arg2[%get3A_1030, %get3A_1031] : memref<128x16000xf32, #tpu.memory_space<vmem>>, vector<128x128xf32>
    %sub3A_1033 = arith.subf %get3A_1032, %max3A_754 : vector<128x128xf32>
    %exp3A_1034 = math.exp %sub3A_1033 : vector<128x128xf32>
    %add3A_1035 = arith.addf %add3A_1027, %exp3A_1034 : vector<128x128xf32>
    %mul3A_1036 = arith.mulf %exp3A_1034, %get3A_1032 : vector<128x128xf32>
    %add3A_1037 = arith.addf %add3A_1029, %mul3A_1036 : vector<128x128xf32>
    %get3A_1038 = arith.constant 0 : index
    %get3A_1039 = arith.constant 4352 : index
    %get3A_1040 = vector.load %arg2[%get3A_1038, %get3A_1039] : memref<128x16000xf32, #tpu.memory_space<vmem>>, vector<128x128xf32>
    %sub3A_1041 = arith.subf %get3A_1040, %max3A_754 : vector<128x128xf32>
    %exp3A_1042 = math.exp %sub3A_1041 : vector<128x128xf32>
    %add3A_1043 = arith.addf %add3A_1035, %exp3A_1042 : vector<128x128xf32>
    %mul3A_1044 = arith.mulf %exp3A_1042, %get3A_1040 : vector<128x128xf32>
    %add3A_1045 = arith.addf %add3A_1037, %mul3A_1044 : vector<128x128xf32>
    %get3A_1046 = arith.constant 0 : index
    %get3A_1047 = arith.constant 4480 : index
    %get3A_1048 = vector.load %arg2[%get3A_1046, %get3A_1047] : memref<128x16000xf32, #tpu.memory_space<vmem>>, vector<128x128xf32>
    %sub3A_1049 = arith.subf %get3A_1048, %max3A_754 : vector<128x128xf32>
    %exp3A_1050 = math.exp %sub3A_1049 : vector<128x128xf32>
    %add3A_1051 = arith.addf %add3A_1043, %exp3A_1050 : vector<128x128xf32>
    %mul3A_1052 = arith.mulf %exp3A_1050, %get3A_1048 : vector<128x128xf32>
    %add3A_1053 = arith.addf %add3A_1045, %mul3A_1052 : vector<128x128xf32>
    %get3A_1054 = arith.constant 0 : index
    %get3A_1055 = arith.constant 4608 : index
    %get3A_1056 = vector.load %arg2[%get3A_1054, %get3A_1055] : memref<128x16000xf32, #tpu.memory_space<vmem>>, vector<128x128xf32>
    %sub3A_1057 = arith.subf %get3A_1056, %max3A_754 : vector<128x128xf32>
    %exp3A_1058 = math.exp %sub3A_1057 : vector<128x128xf32>
    %add3A_1059 = arith.addf %add3A_1051, %exp3A_1058 : vector<128x128xf32>
    %mul3A_1060 = arith.mulf %exp3A_1058, %get3A_1056 : vector<128x128xf32>
    %add3A_1061 = arith.addf %add3A_1053, %mul3A_1060 : vector<128x128xf32>
    %get3A_1062 = arith.constant 0 : index
    %get3A_1063 = arith.constant 4736 : index
    %get3A_1064 = vector.load %arg2[%get3A_1062, %get3A_1063] : memref<128x16000xf32, #tpu.memory_space<vmem>>, vector<128x128xf32>
    %sub3A_1065 = arith.subf %get3A_1064, %max3A_754 : vector<128x128xf32>
    %exp3A_1066 = math.exp %sub3A_1065 : vector<128x128xf32>
    %add3A_1067 = arith.addf %add3A_1059, %exp3A_1066 : vector<128x128xf32>
    %mul3A_1068 = arith.mulf %exp3A_1066, %get3A_1064 : vector<128x128xf32>
    %add3A_1069 = arith.addf %add3A_1061, %mul3A_1068 : vector<128x128xf32>
    %get3A_1070 = arith.constant 0 : index
    %get3A_1071 = arith.constant 4864 : index
    %get3A_1072 = vector.load %arg2[%get3A_1070, %get3A_1071] : memref<128x16000xf32, #tpu.memory_space<vmem>>, vector<128x128xf32>
    %sub3A_1073 = arith.subf %get3A_1072, %max3A_754 : vector<128x128xf32>
    %exp3A_1074 = math.exp %sub3A_1073 : vector<128x128xf32>
    %add3A_1075 = arith.addf %add3A_1067, %exp3A_1074 : vector<128x128xf32>
    %mul3A_1076 = arith.mulf %exp3A_1074, %get3A_1072 : vector<128x128xf32>
    %add3A_1077 = arith.addf %add3A_1069, %mul3A_1076 : vector<128x128xf32>
    %get3A_1078 = arith.constant 0 : index
    %get3A_1079 = arith.constant 4992 : index
    %get3A_1080 = vector.load %arg2[%get3A_1078, %get3A_1079] : memref<128x16000xf32, #tpu.memory_space<vmem>>, vector<128x128xf32>
    %sub3A_1081 = arith.subf %get3A_1080, %max3A_754 : vector<128x128xf32>
    %exp3A_1082 = math.exp %sub3A_1081 : vector<128x128xf32>
    %add3A_1083 = arith.addf %add3A_1075, %exp3A_1082 : vector<128x128xf32>
    %mul3A_1084 = arith.mulf %exp3A_1082, %get3A_1080 : vector<128x128xf32>
    %add3A_1085 = arith.addf %add3A_1077, %mul3A_1084 : vector<128x128xf32>
    %get3A_1086 = arith.constant 0 : index
    %get3A_1087 = arith.constant 5120 : index
    %get3A_1088 = vector.load %arg2[%get3A_1086, %get3A_1087] : memref<128x16000xf32, #tpu.memory_space<vmem>>, vector<128x128xf32>
    %sub3A_1089 = arith.subf %get3A_1088, %max3A_754 : vector<128x128xf32>
    %exp3A_1090 = math.exp %sub3A_1089 : vector<128x128xf32>
    %add3A_1091 = arith.addf %add3A_1083, %exp3A_1090 : vector<128x128xf32>
    %mul3A_1092 = arith.mulf %exp3A_1090, %get3A_1088 : vector<128x128xf32>
    %add3A_1093 = arith.addf %add3A_1085, %mul3A_1092 : vector<128x128xf32>
    %get3A_1094 = arith.constant 0 : index
    %get3A_1095 = arith.constant 5248 : index
    %get3A_1096 = vector.load %arg2[%get3A_1094, %get3A_1095] : memref<128x16000xf32, #tpu.memory_space<vmem>>, vector<128x128xf32>
    %sub3A_1097 = arith.subf %get3A_1096, %max3A_754 : vector<128x128xf32>
    %exp3A_1098 = math.exp %sub3A_1097 : vector<128x128xf32>
    %add3A_1099 = arith.addf %add3A_1091, %exp3A_1098 : vector<128x128xf32>
    %mul3A_1100 = arith.mulf %exp3A_1098, %get3A_1096 : vector<128x128xf32>
    %add3A_1101 = arith.addf %add3A_1093, %mul3A_1100 : vector<128x128xf32>
    %get3A_1102 = arith.constant 0 : index
    %get3A_1103 = arith.constant 5376 : index
    %get3A_1104 = vector.load %arg2[%get3A_1102, %get3A_1103] : memref<128x16000xf32, #tpu.memory_space<vmem>>, vector<128x128xf32>
    %sub3A_1105 = arith.subf %get3A_1104, %max3A_754 : vector<128x128xf32>
    %exp3A_1106 = math.exp %sub3A_1105 : vector<128x128xf32>
    %add3A_1107 = arith.addf %add3A_1099, %exp3A_1106 : vector<128x128xf32>
    %mul3A_1108 = arith.mulf %exp3A_1106, %get3A_1104 : vector<128x128xf32>
    %add3A_1109 = arith.addf %add3A_1101, %mul3A_1108 : vector<128x128xf32>
    %get3A_1110 = arith.constant 0 : index
    %get3A_1111 = arith.constant 5504 : index
    %get3A_1112 = vector.load %arg2[%get3A_1110, %get3A_1111] : memref<128x16000xf32, #tpu.memory_space<vmem>>, vector<128x128xf32>
    %sub3A_1113 = arith.subf %get3A_1112, %max3A_754 : vector<128x128xf32>
    %exp3A_1114 = math.exp %sub3A_1113 : vector<128x128xf32>
    %add3A_1115 = arith.addf %add3A_1107, %exp3A_1114 : vector<128x128xf32>
    %mul3A_1116 = arith.mulf %exp3A_1114, %get3A_1112 : vector<128x128xf32>
    %add3A_1117 = arith.addf %add3A_1109, %mul3A_1116 : vector<128x128xf32>
    %get3A_1118 = arith.constant 0 : index
    %get3A_1119 = arith.constant 5632 : index
    %get3A_1120 = vector.load %arg2[%get3A_1118, %get3A_1119] : memref<128x16000xf32, #tpu.memory_space<vmem>>, vector<128x128xf32>
    %sub3A_1121 = arith.subf %get3A_1120, %max3A_754 : vector<128x128xf32>
    %exp3A_1122 = math.exp %sub3A_1121 : vector<128x128xf32>
    %add3A_1123 = arith.addf %add3A_1115, %exp3A_1122 : vector<128x128xf32>
    %mul3A_1124 = arith.mulf %exp3A_1122, %get3A_1120 : vector<128x128xf32>
    %add3A_1125 = arith.addf %add3A_1117, %mul3A_1124 : vector<128x128xf32>
    %get3A_1126 = arith.constant 0 : index
    %get3A_1127 = arith.constant 5760 : index
    %get3A_1128 = vector.load %arg2[%get3A_1126, %get3A_1127] : memref<128x16000xf32, #tpu.memory_space<vmem>>, vector<128x128xf32>
    %sub3A_1129 = arith.subf %get3A_1128, %max3A_754 : vector<128x128xf32>
    %exp3A_1130 = math.exp %sub3A_1129 : vector<128x128xf32>
    %add3A_1131 = arith.addf %add3A_1123, %exp3A_1130 : vector<128x128xf32>
    %mul3A_1132 = arith.mulf %exp3A_1130, %get3A_1128 : vector<128x128xf32>
    %add3A_1133 = arith.addf %add3A_1125, %mul3A_1132 : vector<128x128xf32>
    %get3A_1134 = arith.constant 0 : index
    %get3A_1135 = arith.constant 5888 : index
    %get3A_1136 = vector.load %arg2[%get3A_1134, %get3A_1135] : memref<128x16000xf32, #tpu.memory_space<vmem>>, vector<128x128xf32>
    %sub3A_1137 = arith.subf %get3A_1136, %max3A_754 : vector<128x128xf32>
    %exp3A_1138 = math.exp %sub3A_1137 : vector<128x128xf32>
    %add3A_1139 = arith.addf %add3A_1131, %exp3A_1138 : vector<128x128xf32>
    %mul3A_1140 = arith.mulf %exp3A_1138, %get3A_1136 : vector<128x128xf32>
    %add3A_1141 = arith.addf %add3A_1133, %mul3A_1140 : vector<128x128xf32>
    %get3A_1142 = arith.constant 0 : index
    %get3A_1143 = arith.constant 6016 : index
    %get3A_1144 = vector.load %arg2[%get3A_1142, %get3A_1143] : memref<128x16000xf32, #tpu.memory_space<vmem>>, vector<128x128xf32>
    %sub3A_1145 = arith.subf %get3A_1144, %max3A_754 : vector<128x128xf32>
    %exp3A_1146 = math.exp %sub3A_1145 : vector<128x128xf32>
    %add3A_1147 = arith.addf %add3A_1139, %exp3A_1146 : vector<128x128xf32>
    %mul3A_1148 = arith.mulf %exp3A_1146, %get3A_1144 : vector<128x128xf32>
    %add3A_1149 = arith.addf %add3A_1141, %mul3A_1148 : vector<128x128xf32>
    %get3A_1150 = arith.constant 0 : index
    %get3A_1151 = arith.constant 6144 : index
    %get3A_1152 = vector.load %arg2[%get3A_1150, %get3A_1151] : memref<128x16000xf32, #tpu.memory_space<vmem>>, vector<128x128xf32>
    %sub3A_1153 = arith.subf %get3A_1152, %max3A_754 : vector<128x128xf32>
    %exp3A_1154 = math.exp %sub3A_1153 : vector<128x128xf32>
    %add3A_1155 = arith.addf %add3A_1147, %exp3A_1154 : vector<128x128xf32>
    %mul3A_1156 = arith.mulf %exp3A_1154, %get3A_1152 : vector<128x128xf32>
    %add3A_1157 = arith.addf %add3A_1149, %mul3A_1156 : vector<128x128xf32>
    %get3A_1158 = arith.constant 0 : index
    %get3A_1159 = arith.constant 6272 : index
    %get3A_1160 = vector.load %arg2[%get3A_1158, %get3A_1159] : memref<128x16000xf32, #tpu.memory_space<vmem>>, vector<128x128xf32>
    %sub3A_1161 = arith.subf %get3A_1160, %max3A_754 : vector<128x128xf32>
    %exp3A_1162 = math.exp %sub3A_1161 : vector<128x128xf32>
    %add3A_1163 = arith.addf %add3A_1155, %exp3A_1162 : vector<128x128xf32>
    %mul3A_1164 = arith.mulf %exp3A_1162, %get3A_1160 : vector<128x128xf32>
    %add3A_1165 = arith.addf %add3A_1157, %mul3A_1164 : vector<128x128xf32>
    %get3A_1166 = arith.constant 0 : index
    %get3A_1167 = arith.constant 6400 : index
    %get3A_1168 = vector.load %arg2[%get3A_1166, %get3A_1167] : memref<128x16000xf32, #tpu.memory_space<vmem>>, vector<128x128xf32>
    %sub3A_1169 = arith.subf %get3A_1168, %max3A_754 : vector<128x128xf32>
    %exp3A_1170 = math.exp %sub3A_1169 : vector<128x128xf32>
    %add3A_1171 = arith.addf %add3A_1163, %exp3A_1170 : vector<128x128xf32>
    %mul3A_1172 = arith.mulf %exp3A_1170, %get3A_1168 : vector<128x128xf32>
    %add3A_1173 = arith.addf %add3A_1165, %mul3A_1172 : vector<128x128xf32>
    %get3A_1174 = arith.constant 0 : index
    %get3A_1175 = arith.constant 6528 : index
    %get3A_1176 = vector.load %arg2[%get3A_1174, %get3A_1175] : memref<128x16000xf32, #tpu.memory_space<vmem>>, vector<128x128xf32>
    %sub3A_1177 = arith.subf %get3A_1176, %max3A_754 : vector<128x128xf32>
    %exp3A_1178 = math.exp %sub3A_1177 : vector<128x128xf32>
    %add3A_1179 = arith.addf %add3A_1171, %exp3A_1178 : vector<128x128xf32>
    %mul3A_1180 = arith.mulf %exp3A_1178, %get3A_1176 : vector<128x128xf32>
    %add3A_1181 = arith.addf %add3A_1173, %mul3A_1180 : vector<128x128xf32>
    %get3A_1182 = arith.constant 0 : index
    %get3A_1183 = arith.constant 6656 : index
    %get3A_1184 = vector.load %arg2[%get3A_1182, %get3A_1183] : memref<128x16000xf32, #tpu.memory_space<vmem>>, vector<128x128xf32>
    %sub3A_1185 = arith.subf %get3A_1184, %max3A_754 : vector<128x128xf32>
    %exp3A_1186 = math.exp %sub3A_1185 : vector<128x128xf32>
    %add3A_1187 = arith.addf %add3A_1179, %exp3A_1186 : vector<128x128xf32>
    %mul3A_1188 = arith.mulf %exp3A_1186, %get3A_1184 : vector<128x128xf32>
    %add3A_1189 = arith.addf %add3A_1181, %mul3A_1188 : vector<128x128xf32>
    %get3A_1190 = arith.constant 0 : index
    %get3A_1191 = arith.constant 6784 : index
    %get3A_1192 = vector.load %arg2[%get3A_1190, %get3A_1191] : memref<128x16000xf32, #tpu.memory_space<vmem>>, vector<128x128xf32>
    %sub3A_1193 = arith.subf %get3A_1192, %max3A_754 : vector<128x128xf32>
    %exp3A_1194 = math.exp %sub3A_1193 : vector<128x128xf32>
    %add3A_1195 = arith.addf %add3A_1187, %exp3A_1194 : vector<128x128xf32>
    %mul3A_1196 = arith.mulf %exp3A_1194, %get3A_1192 : vector<128x128xf32>
    %add3A_1197 = arith.addf %add3A_1189, %mul3A_1196 : vector<128x128xf32>
    %get3A_1198 = arith.constant 0 : index
    %get3A_1199 = arith.constant 6912 : index
    %get3A_1200 = vector.load %arg2[%get3A_1198, %get3A_1199] : memref<128x16000xf32, #tpu.memory_space<vmem>>, vector<128x128xf32>
    %sub3A_1201 = arith.subf %get3A_1200, %max3A_754 : vector<128x128xf32>
    %exp3A_1202 = math.exp %sub3A_1201 : vector<128x128xf32>
    %add3A_1203 = arith.addf %add3A_1195, %exp3A_1202 : vector<128x128xf32>
    %mul3A_1204 = arith.mulf %exp3A_1202, %get3A_1200 : vector<128x128xf32>
    %add3A_1205 = arith.addf %add3A_1197, %mul3A_1204 : vector<128x128xf32>
    %get3A_1206 = arith.constant 0 : index
    %get3A_1207 = arith.constant 7040 : index
    %get3A_1208 = vector.load %arg2[%get3A_1206, %get3A_1207] : memref<128x16000xf32, #tpu.memory_space<vmem>>, vector<128x128xf32>
    %sub3A_1209 = arith.subf %get3A_1208, %max3A_754 : vector<128x128xf32>
    %exp3A_1210 = math.exp %sub3A_1209 : vector<128x128xf32>
    %add3A_1211 = arith.addf %add3A_1203, %exp3A_1210 : vector<128x128xf32>
    %mul3A_1212 = arith.mulf %exp3A_1210, %get3A_1208 : vector<128x128xf32>
    %add3A_1213 = arith.addf %add3A_1205, %mul3A_1212 : vector<128x128xf32>
    %get3A_1214 = arith.constant 0 : index
    %get3A_1215 = arith.constant 7168 : index
    %get3A_1216 = vector.load %arg2[%get3A_1214, %get3A_1215] : memref<128x16000xf32, #tpu.memory_space<vmem>>, vector<128x128xf32>
    %sub3A_1217 = arith.subf %get3A_1216, %max3A_754 : vector<128x128xf32>
    %exp3A_1218 = math.exp %sub3A_1217 : vector<128x128xf32>
    %add3A_1219 = arith.addf %add3A_1211, %exp3A_1218 : vector<128x128xf32>
    %mul3A_1220 = arith.mulf %exp3A_1218, %get3A_1216 : vector<128x128xf32>
    %add3A_1221 = arith.addf %add3A_1213, %mul3A_1220 : vector<128x128xf32>
    %get3A_1222 = arith.constant 0 : index
    %get3A_1223 = arith.constant 7296 : index
    %get3A_1224 = vector.load %arg2[%get3A_1222, %get3A_1223] : memref<128x16000xf32, #tpu.memory_space<vmem>>, vector<128x128xf32>
    %sub3A_1225 = arith.subf %get3A_1224, %max3A_754 : vector<128x128xf32>
    %exp3A_1226 = math.exp %sub3A_1225 : vector<128x128xf32>
    %add3A_1227 = arith.addf %add3A_1219, %exp3A_1226 : vector<128x128xf32>
    %mul3A_1228 = arith.mulf %exp3A_1226, %get3A_1224 : vector<128x128xf32>
    %add3A_1229 = arith.addf %add3A_1221, %mul3A_1228 : vector<128x128xf32>
    %get3A_1230 = arith.constant 0 : index
    %get3A_1231 = arith.constant 7424 : index
    %get3A_1232 = vector.load %arg2[%get3A_1230, %get3A_1231] : memref<128x16000xf32, #tpu.memory_space<vmem>>, vector<128x128xf32>
    %sub3A_1233 = arith.subf %get3A_1232, %max3A_754 : vector<128x128xf32>
    %exp3A_1234 = math.exp %sub3A_1233 : vector<128x128xf32>
    %add3A_1235 = arith.addf %add3A_1227, %exp3A_1234 : vector<128x128xf32>
    %mul3A_1236 = arith.mulf %exp3A_1234, %get3A_1232 : vector<128x128xf32>
    %add3A_1237 = arith.addf %add3A_1229, %mul3A_1236 : vector<128x128xf32>
    %get3A_1238 = arith.constant 0 : index
    %get3A_1239 = arith.constant 7552 : index
    %get3A_1240 = vector.load %arg2[%get3A_1238, %get3A_1239] : memref<128x16000xf32, #tpu.memory_space<vmem>>, vector<128x128xf32>
    %sub3A_1241 = arith.subf %get3A_1240, %max3A_754 : vector<128x128xf32>
    %exp3A_1242 = math.exp %sub3A_1241 : vector<128x128xf32>
    %add3A_1243 = arith.addf %add3A_1235, %exp3A_1242 : vector<128x128xf32>
    %mul3A_1244 = arith.mulf %exp3A_1242, %get3A_1240 : vector<128x128xf32>
    %add3A_1245 = arith.addf %add3A_1237, %mul3A_1244 : vector<128x128xf32>
    %get3A_1246 = arith.constant 0 : index
    %get3A_1247 = arith.constant 7680 : index
    %get3A_1248 = vector.load %arg2[%get3A_1246, %get3A_1247] : memref<128x16000xf32, #tpu.memory_space<vmem>>, vector<128x128xf32>
    %sub3A_1249 = arith.subf %get3A_1248, %max3A_754 : vector<128x128xf32>
    %exp3A_1250 = math.exp %sub3A_1249 : vector<128x128xf32>
    %add3A_1251 = arith.addf %add3A_1243, %exp3A_1250 : vector<128x128xf32>
    %mul3A_1252 = arith.mulf %exp3A_1250, %get3A_1248 : vector<128x128xf32>
    %add3A_1253 = arith.addf %add3A_1245, %mul3A_1252 : vector<128x128xf32>
    %get3A_1254 = arith.constant 0 : index
    %get3A_1255 = arith.constant 7808 : index
    %get3A_1256 = vector.load %arg2[%get3A_1254, %get3A_1255] : memref<128x16000xf32, #tpu.memory_space<vmem>>, vector<128x128xf32>
    %sub3A_1257 = arith.subf %get3A_1256, %max3A_754 : vector<128x128xf32>
    %exp3A_1258 = math.exp %sub3A_1257 : vector<128x128xf32>
    %add3A_1259 = arith.addf %add3A_1251, %exp3A_1258 : vector<128x128xf32>
    %mul3A_1260 = arith.mulf %exp3A_1258, %get3A_1256 : vector<128x128xf32>
    %add3A_1261 = arith.addf %add3A_1253, %mul3A_1260 : vector<128x128xf32>
    %get3A_1262 = arith.constant 0 : index
    %get3A_1263 = arith.constant 7936 : index
    %get3A_1264 = vector.load %arg2[%get3A_1262, %get3A_1263] : memref<128x16000xf32, #tpu.memory_space<vmem>>, vector<128x128xf32>
    %sub3A_1265 = arith.subf %get3A_1264, %max3A_754 : vector<128x128xf32>
    %exp3A_1266 = math.exp %sub3A_1265 : vector<128x128xf32>
    %add3A_1267 = arith.addf %add3A_1259, %exp3A_1266 : vector<128x128xf32>
    %mul3A_1268 = arith.mulf %exp3A_1266, %get3A_1264 : vector<128x128xf32>
    %add3A_1269 = arith.addf %add3A_1261, %mul3A_1268 : vector<128x128xf32>
    %get3A_1270 = arith.constant 0 : index
    %get3A_1271 = arith.constant 8064 : index
    %get3A_1272 = vector.load %arg2[%get3A_1270, %get3A_1271] : memref<128x16000xf32, #tpu.memory_space<vmem>>, vector<128x128xf32>
    %sub3A_1273 = arith.subf %get3A_1272, %max3A_754 : vector<128x128xf32>
    %exp3A_1274 = math.exp %sub3A_1273 : vector<128x128xf32>
    %add3A_1275 = arith.addf %add3A_1267, %exp3A_1274 : vector<128x128xf32>
    %mul3A_1276 = arith.mulf %exp3A_1274, %get3A_1272 : vector<128x128xf32>
    %add3A_1277 = arith.addf %add3A_1269, %mul3A_1276 : vector<128x128xf32>
    %get3A_1278 = arith.constant 0 : index
    %get3A_1279 = arith.constant 8192 : index
    %get3A_1280 = vector.load %arg2[%get3A_1278, %get3A_1279] : memref<128x16000xf32, #tpu.memory_space<vmem>>, vector<128x128xf32>
    %sub3A_1281 = arith.subf %get3A_1280, %max3A_754 : vector<128x128xf32>
    %exp3A_1282 = math.exp %sub3A_1281 : vector<128x128xf32>
    %add3A_1283 = arith.addf %add3A_1275, %exp3A_1282 : vector<128x128xf32>
    %mul3A_1284 = arith.mulf %exp3A_1282, %get3A_1280 : vector<128x128xf32>
    %add3A_1285 = arith.addf %add3A_1277, %mul3A_1284 : vector<128x128xf32>
    %get3A_1286 = arith.constant 0 : index
    %get3A_1287 = arith.constant 8320 : index
    %get3A_1288 = vector.load %arg2[%get3A_1286, %get3A_1287] : memref<128x16000xf32, #tpu.memory_space<vmem>>, vector<128x128xf32>
    %sub3A_1289 = arith.subf %get3A_1288, %max3A_754 : vector<128x128xf32>
    %exp3A_1290 = math.exp %sub3A_1289 : vector<128x128xf32>
    %add3A_1291 = arith.addf %add3A_1283, %exp3A_1290 : vector<128x128xf32>
    %mul3A_1292 = arith.mulf %exp3A_1290, %get3A_1288 : vector<128x128xf32>
    %add3A_1293 = arith.addf %add3A_1285, %mul3A_1292 : vector<128x128xf32>
    %get3A_1294 = arith.constant 0 : index
    %get3A_1295 = arith.constant 8448 : index
    %get3A_1296 = vector.load %arg2[%get3A_1294, %get3A_1295] : memref<128x16000xf32, #tpu.memory_space<vmem>>, vector<128x128xf32>
    %sub3A_1297 = arith.subf %get3A_1296, %max3A_754 : vector<128x128xf32>
    %exp3A_1298 = math.exp %sub3A_1297 : vector<128x128xf32>
    %add3A_1299 = arith.addf %add3A_1291, %exp3A_1298 : vector<128x128xf32>
    %mul3A_1300 = arith.mulf %exp3A_1298, %get3A_1296 : vector<128x128xf32>
    %add3A_1301 = arith.addf %add3A_1293, %mul3A_1300 : vector<128x128xf32>
    %get3A_1302 = arith.constant 0 : index
    %get3A_1303 = arith.constant 8576 : index
    %get3A_1304 = vector.load %arg2[%get3A_1302, %get3A_1303] : memref<128x16000xf32, #tpu.memory_space<vmem>>, vector<128x128xf32>
    %sub3A_1305 = arith.subf %get3A_1304, %max3A_754 : vector<128x128xf32>
    %exp3A_1306 = math.exp %sub3A_1305 : vector<128x128xf32>
    %add3A_1307 = arith.addf %add3A_1299, %exp3A_1306 : vector<128x128xf32>
    %mul3A_1308 = arith.mulf %exp3A_1306, %get3A_1304 : vector<128x128xf32>
    %add3A_1309 = arith.addf %add3A_1301, %mul3A_1308 : vector<128x128xf32>
    %get3A_1310 = arith.constant 0 : index
    %get3A_1311 = arith.constant 8704 : index
    %get3A_1312 = vector.load %arg2[%get3A_1310, %get3A_1311] : memref<128x16000xf32, #tpu.memory_space<vmem>>, vector<128x128xf32>
    %sub3A_1313 = arith.subf %get3A_1312, %max3A_754 : vector<128x128xf32>
    %exp3A_1314 = math.exp %sub3A_1313 : vector<128x128xf32>
    %add3A_1315 = arith.addf %add3A_1307, %exp3A_1314 : vector<128x128xf32>
    %mul3A_1316 = arith.mulf %exp3A_1314, %get3A_1312 : vector<128x128xf32>
    %add3A_1317 = arith.addf %add3A_1309, %mul3A_1316 : vector<128x128xf32>
    %get3A_1318 = arith.constant 0 : index
    %get3A_1319 = arith.constant 8832 : index
    %get3A_1320 = vector.load %arg2[%get3A_1318, %get3A_1319] : memref<128x16000xf32, #tpu.memory_space<vmem>>, vector<128x128xf32>
    %sub3A_1321 = arith.subf %get3A_1320, %max3A_754 : vector<128x128xf32>
    %exp3A_1322 = math.exp %sub3A_1321 : vector<128x128xf32>
    %add3A_1323 = arith.addf %add3A_1315, %exp3A_1322 : vector<128x128xf32>
    %mul3A_1324 = arith.mulf %exp3A_1322, %get3A_1320 : vector<128x128xf32>
    %add3A_1325 = arith.addf %add3A_1317, %mul3A_1324 : vector<128x128xf32>
    %get3A_1326 = arith.constant 0 : index
    %get3A_1327 = arith.constant 8960 : index
    %get3A_1328 = vector.load %arg2[%get3A_1326, %get3A_1327] : memref<128x16000xf32, #tpu.memory_space<vmem>>, vector<128x128xf32>
    %sub3A_1329 = arith.subf %get3A_1328, %max3A_754 : vector<128x128xf32>
    %exp3A_1330 = math.exp %sub3A_1329 : vector<128x128xf32>
    %add3A_1331 = arith.addf %add3A_1323, %exp3A_1330 : vector<128x128xf32>
    %mul3A_1332 = arith.mulf %exp3A_1330, %get3A_1328 : vector<128x128xf32>
    %add3A_1333 = arith.addf %add3A_1325, %mul3A_1332 : vector<128x128xf32>
    %get3A_1334 = arith.constant 0 : index
    %get3A_1335 = arith.constant 9088 : index
    %get3A_1336 = vector.load %arg2[%get3A_1334, %get3A_1335] : memref<128x16000xf32, #tpu.memory_space<vmem>>, vector<128x128xf32>
    %sub3A_1337 = arith.subf %get3A_1336, %max3A_754 : vector<128x128xf32>
    %exp3A_1338 = math.exp %sub3A_1337 : vector<128x128xf32>
    %add3A_1339 = arith.addf %add3A_1331, %exp3A_1338 : vector<128x128xf32>
    %mul3A_1340 = arith.mulf %exp3A_1338, %get3A_1336 : vector<128x128xf32>
    %add3A_1341 = arith.addf %add3A_1333, %mul3A_1340 : vector<128x128xf32>
    %get3A_1342 = arith.constant 0 : index
    %get3A_1343 = arith.constant 9216 : index
    %get3A_1344 = vector.load %arg2[%get3A_1342, %get3A_1343] : memref<128x16000xf32, #tpu.memory_space<vmem>>, vector<128x128xf32>
    %sub3A_1345 = arith.subf %get3A_1344, %max3A_754 : vector<128x128xf32>
    %exp3A_1346 = math.exp %sub3A_1345 : vector<128x128xf32>
    %add3A_1347 = arith.addf %add3A_1339, %exp3A_1346 : vector<128x128xf32>
    %mul3A_1348 = arith.mulf %exp3A_1346, %get3A_1344 : vector<128x128xf32>
    %add3A_1349 = arith.addf %add3A_1341, %mul3A_1348 : vector<128x128xf32>
    %get3A_1350 = arith.constant 0 : index
    %get3A_1351 = arith.constant 9344 : index
    %get3A_1352 = vector.load %arg2[%get3A_1350, %get3A_1351] : memref<128x16000xf32, #tpu.memory_space<vmem>>, vector<128x128xf32>
    %sub3A_1353 = arith.subf %get3A_1352, %max3A_754 : vector<128x128xf32>
    %exp3A_1354 = math.exp %sub3A_1353 : vector<128x128xf32>
    %add3A_1355 = arith.addf %add3A_1347, %exp3A_1354 : vector<128x128xf32>
    %mul3A_1356 = arith.mulf %exp3A_1354, %get3A_1352 : vector<128x128xf32>
    %add3A_1357 = arith.addf %add3A_1349, %mul3A_1356 : vector<128x128xf32>
    %get3A_1358 = arith.constant 0 : index
    %get3A_1359 = arith.constant 9472 : index
    %get3A_1360 = vector.load %arg2[%get3A_1358, %get3A_1359] : memref<128x16000xf32, #tpu.memory_space<vmem>>, vector<128x128xf32>
    %sub3A_1361 = arith.subf %get3A_1360, %max3A_754 : vector<128x128xf32>
    %exp3A_1362 = math.exp %sub3A_1361 : vector<128x128xf32>
    %add3A_1363 = arith.addf %add3A_1355, %exp3A_1362 : vector<128x128xf32>
    %mul3A_1364 = arith.mulf %exp3A_1362, %get3A_1360 : vector<128x128xf32>
    %add3A_1365 = arith.addf %add3A_1357, %mul3A_1364 : vector<128x128xf32>
    %get3A_1366 = arith.constant 0 : index
    %get3A_1367 = arith.constant 9600 : index
    %get3A_1368 = vector.load %arg2[%get3A_1366, %get3A_1367] : memref<128x16000xf32, #tpu.memory_space<vmem>>, vector<128x128xf32>
    %sub3A_1369 = arith.subf %get3A_1368, %max3A_754 : vector<128x128xf32>
    %exp3A_1370 = math.exp %sub3A_1369 : vector<128x128xf32>
    %add3A_1371 = arith.addf %add3A_1363, %exp3A_1370 : vector<128x128xf32>
    %mul3A_1372 = arith.mulf %exp3A_1370, %get3A_1368 : vector<128x128xf32>
    %add3A_1373 = arith.addf %add3A_1365, %mul3A_1372 : vector<128x128xf32>
    %get3A_1374 = arith.constant 0 : index
    %get3A_1375 = arith.constant 9728 : index
    %get3A_1376 = vector.load %arg2[%get3A_1374, %get3A_1375] : memref<128x16000xf32, #tpu.memory_space<vmem>>, vector<128x128xf32>
    %sub3A_1377 = arith.subf %get3A_1376, %max3A_754 : vector<128x128xf32>
    %exp3A_1378 = math.exp %sub3A_1377 : vector<128x128xf32>
    %add3A_1379 = arith.addf %add3A_1371, %exp3A_1378 : vector<128x128xf32>
    %mul3A_1380 = arith.mulf %exp3A_1378, %get3A_1376 : vector<128x128xf32>
    %add3A_1381 = arith.addf %add3A_1373, %mul3A_1380 : vector<128x128xf32>
    %get3A_1382 = arith.constant 0 : index
    %get3A_1383 = arith.constant 9856 : index
    %get3A_1384 = vector.load %arg2[%get3A_1382, %get3A_1383] : memref<128x16000xf32, #tpu.memory_space<vmem>>, vector<128x128xf32>
    %sub3A_1385 = arith.subf %get3A_1384, %max3A_754 : vector<128x128xf32>
    %exp3A_1386 = math.exp %sub3A_1385 : vector<128x128xf32>
    %add3A_1387 = arith.addf %add3A_1379, %exp3A_1386 : vector<128x128xf32>
    %mul3A_1388 = arith.mulf %exp3A_1386, %get3A_1384 : vector<128x128xf32>
    %add3A_1389 = arith.addf %add3A_1381, %mul3A_1388 : vector<128x128xf32>
    %get3A_1390 = arith.constant 0 : index
    %get3A_1391 = arith.constant 9984 : index
    %get3A_1392 = vector.load %arg2[%get3A_1390, %get3A_1391] : memref<128x16000xf32, #tpu.memory_space<vmem>>, vector<128x128xf32>
    %sub3A_1393 = arith.subf %get3A_1392, %max3A_754 : vector<128x128xf32>
    %exp3A_1394 = math.exp %sub3A_1393 : vector<128x128xf32>
    %add3A_1395 = arith.addf %add3A_1387, %exp3A_1394 : vector<128x128xf32>
    %mul3A_1396 = arith.mulf %exp3A_1394, %get3A_1392 : vector<128x128xf32>
    %add3A_1397 = arith.addf %add3A_1389, %mul3A_1396 : vector<128x128xf32>
    %get3A_1398 = arith.constant 0 : index
    %get3A_1399 = arith.constant 10112 : index
    %get3A_1400 = vector.load %arg2[%get3A_1398, %get3A_1399] : memref<128x16000xf32, #tpu.memory_space<vmem>>, vector<128x128xf32>
    %sub3A_1401 = arith.subf %get3A_1400, %max3A_754 : vector<128x128xf32>
    %exp3A_1402 = math.exp %sub3A_1401 : vector<128x128xf32>
    %add3A_1403 = arith.addf %add3A_1395, %exp3A_1402 : vector<128x128xf32>
    %mul3A_1404 = arith.mulf %exp3A_1402, %get3A_1400 : vector<128x128xf32>
    %add3A_1405 = arith.addf %add3A_1397, %mul3A_1404 : vector<128x128xf32>
    %get3A_1406 = arith.constant 0 : index
    %get3A_1407 = arith.constant 10240 : index
    %get3A_1408 = vector.load %arg2[%get3A_1406, %get3A_1407] : memref<128x16000xf32, #tpu.memory_space<vmem>>, vector<128x128xf32>
    %sub3A_1409 = arith.subf %get3A_1408, %max3A_754 : vector<128x128xf32>
    %exp3A_1410 = math.exp %sub3A_1409 : vector<128x128xf32>
    %add3A_1411 = arith.addf %add3A_1403, %exp3A_1410 : vector<128x128xf32>
    %mul3A_1412 = arith.mulf %exp3A_1410, %get3A_1408 : vector<128x128xf32>
    %add3A_1413 = arith.addf %add3A_1405, %mul3A_1412 : vector<128x128xf32>
    %get3A_1414 = arith.constant 0 : index
    %get3A_1415 = arith.constant 10368 : index
    %get3A_1416 = vector.load %arg2[%get3A_1414, %get3A_1415] : memref<128x16000xf32, #tpu.memory_space<vmem>>, vector<128x128xf32>
    %sub3A_1417 = arith.subf %get3A_1416, %max3A_754 : vector<128x128xf32>
    %exp3A_1418 = math.exp %sub3A_1417 : vector<128x128xf32>
    %add3A_1419 = arith.addf %add3A_1411, %exp3A_1418 : vector<128x128xf32>
    %mul3A_1420 = arith.mulf %exp3A_1418, %get3A_1416 : vector<128x128xf32>
    %add3A_1421 = arith.addf %add3A_1413, %mul3A_1420 : vector<128x128xf32>
    %get3A_1422 = arith.constant 0 : index
    %get3A_1423 = arith.constant 10496 : index
    %get3A_1424 = vector.load %arg2[%get3A_1422, %get3A_1423] : memref<128x16000xf32, #tpu.memory_space<vmem>>, vector<128x128xf32>
    %sub3A_1425 = arith.subf %get3A_1424, %max3A_754 : vector<128x128xf32>
    %exp3A_1426 = math.exp %sub3A_1425 : vector<128x128xf32>
    %add3A_1427 = arith.addf %add3A_1419, %exp3A_1426 : vector<128x128xf32>
    %mul3A_1428 = arith.mulf %exp3A_1426, %get3A_1424 : vector<128x128xf32>
    %add3A_1429 = arith.addf %add3A_1421, %mul3A_1428 : vector<128x128xf32>
    %get3A_1430 = arith.constant 0 : index
    %get3A_1431 = arith.constant 10624 : index
    %get3A_1432 = vector.load %arg2[%get3A_1430, %get3A_1431] : memref<128x16000xf32, #tpu.memory_space<vmem>>, vector<128x128xf32>
    %sub3A_1433 = arith.subf %get3A_1432, %max3A_754 : vector<128x128xf32>
    %exp3A_1434 = math.exp %sub3A_1433 : vector<128x128xf32>
    %add3A_1435 = arith.addf %add3A_1427, %exp3A_1434 : vector<128x128xf32>
    %mul3A_1436 = arith.mulf %exp3A_1434, %get3A_1432 : vector<128x128xf32>
    %add3A_1437 = arith.addf %add3A_1429, %mul3A_1436 : vector<128x128xf32>
    %get3A_1438 = arith.constant 0 : index
    %get3A_1439 = arith.constant 10752 : index
    %get3A_1440 = vector.load %arg2[%get3A_1438, %get3A_1439] : memref<128x16000xf32, #tpu.memory_space<vmem>>, vector<128x128xf32>
    %sub3A_1441 = arith.subf %get3A_1440, %max3A_754 : vector<128x128xf32>
    %exp3A_1442 = math.exp %sub3A_1441 : vector<128x128xf32>
    %add3A_1443 = arith.addf %add3A_1435, %exp3A_1442 : vector<128x128xf32>
    %mul3A_1444 = arith.mulf %exp3A_1442, %get3A_1440 : vector<128x128xf32>
    %add3A_1445 = arith.addf %add3A_1437, %mul3A_1444 : vector<128x128xf32>
    %get3A_1446 = arith.constant 0 : index
    %get3A_1447 = arith.constant 10880 : index
    %get3A_1448 = vector.load %arg2[%get3A_1446, %get3A_1447] : memref<128x16000xf32, #tpu.memory_space<vmem>>, vector<128x128xf32>
    %sub3A_1449 = arith.subf %get3A_1448, %max3A_754 : vector<128x128xf32>
    %exp3A_1450 = math.exp %sub3A_1449 : vector<128x128xf32>
    %add3A_1451 = arith.addf %add3A_1443, %exp3A_1450 : vector<128x128xf32>
    %mul3A_1452 = arith.mulf %exp3A_1450, %get3A_1448 : vector<128x128xf32>
    %add3A_1453 = arith.addf %add3A_1445, %mul3A_1452 : vector<128x128xf32>
    %get3A_1454 = arith.constant 0 : index
    %get3A_1455 = arith.constant 11008 : index
    %get3A_1456 = vector.load %arg2[%get3A_1454, %get3A_1455] : memref<128x16000xf32, #tpu.memory_space<vmem>>, vector<128x128xf32>
    %sub3A_1457 = arith.subf %get3A_1456, %max3A_754 : vector<128x128xf32>
    %exp3A_1458 = math.exp %sub3A_1457 : vector<128x128xf32>
    %add3A_1459 = arith.addf %add3A_1451, %exp3A_1458 : vector<128x128xf32>
    %mul3A_1460 = arith.mulf %exp3A_1458, %get3A_1456 : vector<128x128xf32>
    %add3A_1461 = arith.addf %add3A_1453, %mul3A_1460 : vector<128x128xf32>
    %get3A_1462 = arith.constant 0 : index
    %get3A_1463 = arith.constant 11136 : index
    %get3A_1464 = vector.load %arg2[%get3A_1462, %get3A_1463] : memref<128x16000xf32, #tpu.memory_space<vmem>>, vector<128x128xf32>
    %sub3A_1465 = arith.subf %get3A_1464, %max3A_754 : vector<128x128xf32>
    %exp3A_1466 = math.exp %sub3A_1465 : vector<128x128xf32>
    %add3A_1467 = arith.addf %add3A_1459, %exp3A_1466 : vector<128x128xf32>
    %mul3A_1468 = arith.mulf %exp3A_1466, %get3A_1464 : vector<128x128xf32>
    %add3A_1469 = arith.addf %add3A_1461, %mul3A_1468 : vector<128x128xf32>
    %get3A_1470 = arith.constant 0 : index
    %get3A_1471 = arith.constant 11264 : index
    %get3A_1472 = vector.load %arg2[%get3A_1470, %get3A_1471] : memref<128x16000xf32, #tpu.memory_space<vmem>>, vector<128x128xf32>
    %sub3A_1473 = arith.subf %get3A_1472, %max3A_754 : vector<128x128xf32>
    %exp3A_1474 = math.exp %sub3A_1473 : vector<128x128xf32>
    %add3A_1475 = arith.addf %add3A_1467, %exp3A_1474 : vector<128x128xf32>
    %mul3A_1476 = arith.mulf %exp3A_1474, %get3A_1472 : vector<128x128xf32>
    %add3A_1477 = arith.addf %add3A_1469, %mul3A_1476 : vector<128x128xf32>
    %get3A_1478 = arith.constant 0 : index
    %get3A_1479 = arith.constant 11392 : index
    %get3A_1480 = vector.load %arg2[%get3A_1478, %get3A_1479] : memref<128x16000xf32, #tpu.memory_space<vmem>>, vector<128x128xf32>
    %sub3A_1481 = arith.subf %get3A_1480, %max3A_754 : vector<128x128xf32>
    %exp3A_1482 = math.exp %sub3A_1481 : vector<128x128xf32>
    %add3A_1483 = arith.addf %add3A_1475, %exp3A_1482 : vector<128x128xf32>
    %mul3A_1484 = arith.mulf %exp3A_1482, %get3A_1480 : vector<128x128xf32>
    %add3A_1485 = arith.addf %add3A_1477, %mul3A_1484 : vector<128x128xf32>
    %get3A_1486 = arith.constant 0 : index
    %get3A_1487 = arith.constant 11520 : index
    %get3A_1488 = vector.load %arg2[%get3A_1486, %get3A_1487] : memref<128x16000xf32, #tpu.memory_space<vmem>>, vector<128x128xf32>
    %sub3A_1489 = arith.subf %get3A_1488, %max3A_754 : vector<128x128xf32>
    %exp3A_1490 = math.exp %sub3A_1489 : vector<128x128xf32>
    %add3A_1491 = arith.addf %add3A_1483, %exp3A_1490 : vector<128x128xf32>
    %mul3A_1492 = arith.mulf %exp3A_1490, %get3A_1488 : vector<128x128xf32>
    %add3A_1493 = arith.addf %add3A_1485, %mul3A_1492 : vector<128x128xf32>
    %get3A_1494 = arith.constant 0 : index
    %get3A_1495 = arith.constant 11648 : index
    %get3A_1496 = vector.load %arg2[%get3A_1494, %get3A_1495] : memref<128x16000xf32, #tpu.memory_space<vmem>>, vector<128x128xf32>
    %sub3A_1497 = arith.subf %get3A_1496, %max3A_754 : vector<128x128xf32>
    %exp3A_1498 = math.exp %sub3A_1497 : vector<128x128xf32>
    %add3A_1499 = arith.addf %add3A_1491, %exp3A_1498 : vector<128x128xf32>
    %mul3A_1500 = arith.mulf %exp3A_1498, %get3A_1496 : vector<128x128xf32>
    %add3A_1501 = arith.addf %add3A_1493, %mul3A_1500 : vector<128x128xf32>
    %get3A_1502 = arith.constant 0 : index
    %get3A_1503 = arith.constant 11776 : index
    %get3A_1504 = vector.load %arg2[%get3A_1502, %get3A_1503] : memref<128x16000xf32, #tpu.memory_space<vmem>>, vector<128x128xf32>
    %sub3A_1505 = arith.subf %get3A_1504, %max3A_754 : vector<128x128xf32>
    %exp3A_1506 = math.exp %sub3A_1505 : vector<128x128xf32>
    %add3A_1507 = arith.addf %add3A_1499, %exp3A_1506 : vector<128x128xf32>
    %mul3A_1508 = arith.mulf %exp3A_1506, %get3A_1504 : vector<128x128xf32>
    %add3A_1509 = arith.addf %add3A_1501, %mul3A_1508 : vector<128x128xf32>
    %get3A_1510 = arith.constant 0 : index
    %get3A_1511 = arith.constant 11904 : index
    %get3A_1512 = vector.load %arg2[%get3A_1510, %get3A_1511] : memref<128x16000xf32, #tpu.memory_space<vmem>>, vector<128x128xf32>
    %sub3A_1513 = arith.subf %get3A_1512, %max3A_754 : vector<128x128xf32>
    %exp3A_1514 = math.exp %sub3A_1513 : vector<128x128xf32>
    %add3A_1515 = arith.addf %add3A_1507, %exp3A_1514 : vector<128x128xf32>
    %mul3A_1516 = arith.mulf %exp3A_1514, %get3A_1512 : vector<128x128xf32>
    %add3A_1517 = arith.addf %add3A_1509, %mul3A_1516 : vector<128x128xf32>
    %get3A_1518 = arith.constant 0 : index
    %get3A_1519 = arith.constant 12032 : index
    %get3A_1520 = vector.load %arg2[%get3A_1518, %get3A_1519] : memref<128x16000xf32, #tpu.memory_space<vmem>>, vector<128x128xf32>
    %sub3A_1521 = arith.subf %get3A_1520, %max3A_754 : vector<128x128xf32>
    %exp3A_1522 = math.exp %sub3A_1521 : vector<128x128xf32>
    %add3A_1523 = arith.addf %add3A_1515, %exp3A_1522 : vector<128x128xf32>
    %mul3A_1524 = arith.mulf %exp3A_1522, %get3A_1520 : vector<128x128xf32>
    %add3A_1525 = arith.addf %add3A_1517, %mul3A_1524 : vector<128x128xf32>
    %get3A_1526 = arith.constant 0 : index
    %get3A_1527 = arith.constant 12160 : index
    %get3A_1528 = vector.load %arg2[%get3A_1526, %get3A_1527] : memref<128x16000xf32, #tpu.memory_space<vmem>>, vector<128x128xf32>
    %sub3A_1529 = arith.subf %get3A_1528, %max3A_754 : vector<128x128xf32>
    %exp3A_1530 = math.exp %sub3A_1529 : vector<128x128xf32>
    %add3A_1531 = arith.addf %add3A_1523, %exp3A_1530 : vector<128x128xf32>
    %mul3A_1532 = arith.mulf %exp3A_1530, %get3A_1528 : vector<128x128xf32>
    %add3A_1533 = arith.addf %add3A_1525, %mul3A_1532 : vector<128x128xf32>
    %get3A_1534 = arith.constant 0 : index
    %get3A_1535 = arith.constant 12288 : index
    %get3A_1536 = vector.load %arg2[%get3A_1534, %get3A_1535] : memref<128x16000xf32, #tpu.memory_space<vmem>>, vector<128x128xf32>
    %sub3A_1537 = arith.subf %get3A_1536, %max3A_754 : vector<128x128xf32>
    %exp3A_1538 = math.exp %sub3A_1537 : vector<128x128xf32>
    %add3A_1539 = arith.addf %add3A_1531, %exp3A_1538 : vector<128x128xf32>
    %mul3A_1540 = arith.mulf %exp3A_1538, %get3A_1536 : vector<128x128xf32>
    %add3A_1541 = arith.addf %add3A_1533, %mul3A_1540 : vector<128x128xf32>
    %get3A_1542 = arith.constant 0 : index
    %get3A_1543 = arith.constant 12416 : index
    %get3A_1544 = vector.load %arg2[%get3A_1542, %get3A_1543] : memref<128x16000xf32, #tpu.memory_space<vmem>>, vector<128x128xf32>
    %sub3A_1545 = arith.subf %get3A_1544, %max3A_754 : vector<128x128xf32>
    %exp3A_1546 = math.exp %sub3A_1545 : vector<128x128xf32>
    %add3A_1547 = arith.addf %add3A_1539, %exp3A_1546 : vector<128x128xf32>
    %mul3A_1548 = arith.mulf %exp3A_1546, %get3A_1544 : vector<128x128xf32>
    %add3A_1549 = arith.addf %add3A_1541, %mul3A_1548 : vector<128x128xf32>
    %get3A_1550 = arith.constant 0 : index
    %get3A_1551 = arith.constant 12544 : index
    %get3A_1552 = vector.load %arg2[%get3A_1550, %get3A_1551] : memref<128x16000xf32, #tpu.memory_space<vmem>>, vector<128x128xf32>
    %sub3A_1553 = arith.subf %get3A_1552, %max3A_754 : vector<128x128xf32>
    %exp3A_1554 = math.exp %sub3A_1553 : vector<128x128xf32>
    %add3A_1555 = arith.addf %add3A_1547, %exp3A_1554 : vector<128x128xf32>
    %mul3A_1556 = arith.mulf %exp3A_1554, %get3A_1552 : vector<128x128xf32>
    %add3A_1557 = arith.addf %add3A_1549, %mul3A_1556 : vector<128x128xf32>
    %get3A_1558 = arith.constant 0 : index
    %get3A_1559 = arith.constant 12672 : index
    %get3A_1560 = vector.load %arg2[%get3A_1558, %get3A_1559] : memref<128x16000xf32, #tpu.memory_space<vmem>>, vector<128x128xf32>
    %sub3A_1561 = arith.subf %get3A_1560, %max3A_754 : vector<128x128xf32>
    %exp3A_1562 = math.exp %sub3A_1561 : vector<128x128xf32>
    %add3A_1563 = arith.addf %add3A_1555, %exp3A_1562 : vector<128x128xf32>
    %mul3A_1564 = arith.mulf %exp3A_1562, %get3A_1560 : vector<128x128xf32>
    %add3A_1565 = arith.addf %add3A_1557, %mul3A_1564 : vector<128x128xf32>
    %get3A_1566 = arith.constant 0 : index
    %get3A_1567 = arith.constant 12800 : index
    %get3A_1568 = vector.load %arg2[%get3A_1566, %get3A_1567] : memref<128x16000xf32, #tpu.memory_space<vmem>>, vector<128x128xf32>
    %sub3A_1569 = arith.subf %get3A_1568, %max3A_754 : vector<128x128xf32>
    %exp3A_1570 = math.exp %sub3A_1569 : vector<128x128xf32>
    %add3A_1571 = arith.addf %add3A_1563, %exp3A_1570 : vector<128x128xf32>
    %mul3A_1572 = arith.mulf %exp3A_1570, %get3A_1568 : vector<128x128xf32>
    %add3A_1573 = arith.addf %add3A_1565, %mul3A_1572 : vector<128x128xf32>
    %get3A_1574 = arith.constant 0 : index
    %get3A_1575 = arith.constant 12928 : index
    %get3A_1576 = vector.load %arg2[%get3A_1574, %get3A_1575] : memref<128x16000xf32, #tpu.memory_space<vmem>>, vector<128x128xf32>
    %sub3A_1577 = arith.subf %get3A_1576, %max3A_754 : vector<128x128xf32>
    %exp3A_1578 = math.exp %sub3A_1577 : vector<128x128xf32>
    %add3A_1579 = arith.addf %add3A_1571, %exp3A_1578 : vector<128x128xf32>
    %mul3A_1580 = arith.mulf %exp3A_1578, %get3A_1576 : vector<128x128xf32>
    %add3A_1581 = arith.addf %add3A_1573, %mul3A_1580 : vector<128x128xf32>
    %get3A_1582 = arith.constant 0 : index
    %get3A_1583 = arith.constant 13056 : index
    %get3A_1584 = vector.load %arg2[%get3A_1582, %get3A_1583] : memref<128x16000xf32, #tpu.memory_space<vmem>>, vector<128x128xf32>
    %sub3A_1585 = arith.subf %get3A_1584, %max3A_754 : vector<128x128xf32>
    %exp3A_1586 = math.exp %sub3A_1585 : vector<128x128xf32>
    %add3A_1587 = arith.addf %add3A_1579, %exp3A_1586 : vector<128x128xf32>
    %mul3A_1588 = arith.mulf %exp3A_1586, %get3A_1584 : vector<128x128xf32>
    %add3A_1589 = arith.addf %add3A_1581, %mul3A_1588 : vector<128x128xf32>
    %get3A_1590 = arith.constant 0 : index
    %get3A_1591 = arith.constant 13184 : index
    %get3A_1592 = vector.load %arg2[%get3A_1590, %get3A_1591] : memref<128x16000xf32, #tpu.memory_space<vmem>>, vector<128x128xf32>
    %sub3A_1593 = arith.subf %get3A_1592, %max3A_754 : vector<128x128xf32>
    %exp3A_1594 = math.exp %sub3A_1593 : vector<128x128xf32>
    %add3A_1595 = arith.addf %add3A_1587, %exp3A_1594 : vector<128x128xf32>
    %mul3A_1596 = arith.mulf %exp3A_1594, %get3A_1592 : vector<128x128xf32>
    %add3A_1597 = arith.addf %add3A_1589, %mul3A_1596 : vector<128x128xf32>
    %get3A_1598 = arith.constant 0 : index
    %get3A_1599 = arith.constant 13312 : index
    %get3A_1600 = vector.load %arg2[%get3A_1598, %get3A_1599] : memref<128x16000xf32, #tpu.memory_space<vmem>>, vector<128x128xf32>
    %sub3A_1601 = arith.subf %get3A_1600, %max3A_754 : vector<128x128xf32>
    %exp3A_1602 = math.exp %sub3A_1601 : vector<128x128xf32>
    %add3A_1603 = arith.addf %add3A_1595, %exp3A_1602 : vector<128x128xf32>
    %mul3A_1604 = arith.mulf %exp3A_1602, %get3A_1600 : vector<128x128xf32>
    %add3A_1605 = arith.addf %add3A_1597, %mul3A_1604 : vector<128x128xf32>
    %get3A_1606 = arith.constant 0 : index
    %get3A_1607 = arith.constant 13440 : index
    %get3A_1608 = vector.load %arg2[%get3A_1606, %get3A_1607] : memref<128x16000xf32, #tpu.memory_space<vmem>>, vector<128x128xf32>
    %sub3A_1609 = arith.subf %get3A_1608, %max3A_754 : vector<128x128xf32>
    %exp3A_1610 = math.exp %sub3A_1609 : vector<128x128xf32>
    %add3A_1611 = arith.addf %add3A_1603, %exp3A_1610 : vector<128x128xf32>
    %mul3A_1612 = arith.mulf %exp3A_1610, %get3A_1608 : vector<128x128xf32>
    %add3A_1613 = arith.addf %add3A_1605, %mul3A_1612 : vector<128x128xf32>
    %get3A_1614 = arith.constant 0 : index
    %get3A_1615 = arith.constant 13568 : index
    %get3A_1616 = vector.load %arg2[%get3A_1614, %get3A_1615] : memref<128x16000xf32, #tpu.memory_space<vmem>>, vector<128x128xf32>
    %sub3A_1617 = arith.subf %get3A_1616, %max3A_754 : vector<128x128xf32>
    %exp3A_1618 = math.exp %sub3A_1617 : vector<128x128xf32>
    %add3A_1619 = arith.addf %add3A_1611, %exp3A_1618 : vector<128x128xf32>
    %mul3A_1620 = arith.mulf %exp3A_1618, %get3A_1616 : vector<128x128xf32>
    %add3A_1621 = arith.addf %add3A_1613, %mul3A_1620 : vector<128x128xf32>
    %get3A_1622 = arith.constant 0 : index
    %get3A_1623 = arith.constant 13696 : index
    %get3A_1624 = vector.load %arg2[%get3A_1622, %get3A_1623] : memref<128x16000xf32, #tpu.memory_space<vmem>>, vector<128x128xf32>
    %sub3A_1625 = arith.subf %get3A_1624, %max3A_754 : vector<128x128xf32>
    %exp3A_1626 = math.exp %sub3A_1625 : vector<128x128xf32>
    %add3A_1627 = arith.addf %add3A_1619, %exp3A_1626 : vector<128x128xf32>
    %mul3A_1628 = arith.mulf %exp3A_1626, %get3A_1624 : vector<128x128xf32>
    %add3A_1629 = arith.addf %add3A_1621, %mul3A_1628 : vector<128x128xf32>
    %get3A_1630 = arith.constant 0 : index
    %get3A_1631 = arith.constant 13824 : index
    %get3A_1632 = vector.load %arg2[%get3A_1630, %get3A_1631] : memref<128x16000xf32, #tpu.memory_space<vmem>>, vector<128x128xf32>
    %sub3A_1633 = arith.subf %get3A_1632, %max3A_754 : vector<128x128xf32>
    %exp3A_1634 = math.exp %sub3A_1633 : vector<128x128xf32>
    %add3A_1635 = arith.addf %add3A_1627, %exp3A_1634 : vector<128x128xf32>
    %mul3A_1636 = arith.mulf %exp3A_1634, %get3A_1632 : vector<128x128xf32>
    %add3A_1637 = arith.addf %add3A_1629, %mul3A_1636 : vector<128x128xf32>
    %get3A_1638 = arith.constant 0 : index
    %get3A_1639 = arith.constant 13952 : index
    %get3A_1640 = vector.load %arg2[%get3A_1638, %get3A_1639] : memref<128x16000xf32, #tpu.memory_space<vmem>>, vector<128x128xf32>
    %sub3A_1641 = arith.subf %get3A_1640, %max3A_754 : vector<128x128xf32>
    %exp3A_1642 = math.exp %sub3A_1641 : vector<128x128xf32>
    %add3A_1643 = arith.addf %add3A_1635, %exp3A_1642 : vector<128x128xf32>
    %mul3A_1644 = arith.mulf %exp3A_1642, %get3A_1640 : vector<128x128xf32>
    %add3A_1645 = arith.addf %add3A_1637, %mul3A_1644 : vector<128x128xf32>
    %get3A_1646 = arith.constant 0 : index
    %get3A_1647 = arith.constant 14080 : index
    %get3A_1648 = vector.load %arg2[%get3A_1646, %get3A_1647] : memref<128x16000xf32, #tpu.memory_space<vmem>>, vector<128x128xf32>
    %sub3A_1649 = arith.subf %get3A_1648, %max3A_754 : vector<128x128xf32>
    %exp3A_1650 = math.exp %sub3A_1649 : vector<128x128xf32>
    %add3A_1651 = arith.addf %add3A_1643, %exp3A_1650 : vector<128x128xf32>
    %mul3A_1652 = arith.mulf %exp3A_1650, %get3A_1648 : vector<128x128xf32>
    %add3A_1653 = arith.addf %add3A_1645, %mul3A_1652 : vector<128x128xf32>
    %get3A_1654 = arith.constant 0 : index
    %get3A_1655 = arith.constant 14208 : index
    %get3A_1656 = vector.load %arg2[%get3A_1654, %get3A_1655] : memref<128x16000xf32, #tpu.memory_space<vmem>>, vector<128x128xf32>
    %sub3A_1657 = arith.subf %get3A_1656, %max3A_754 : vector<128x128xf32>
    %exp3A_1658 = math.exp %sub3A_1657 : vector<128x128xf32>
    %add3A_1659 = arith.addf %add3A_1651, %exp3A_1658 : vector<128x128xf32>
    %mul3A_1660 = arith.mulf %exp3A_1658, %get3A_1656 : vector<128x128xf32>
    %add3A_1661 = arith.addf %add3A_1653, %mul3A_1660 : vector<128x128xf32>
    %get3A_1662 = arith.constant 0 : index
    %get3A_1663 = arith.constant 14336 : index
    %get3A_1664 = vector.load %arg2[%get3A_1662, %get3A_1663] : memref<128x16000xf32, #tpu.memory_space<vmem>>, vector<128x128xf32>
    %sub3A_1665 = arith.subf %get3A_1664, %max3A_754 : vector<128x128xf32>
    %exp3A_1666 = math.exp %sub3A_1665 : vector<128x128xf32>
    %add3A_1667 = arith.addf %add3A_1659, %exp3A_1666 : vector<128x128xf32>
    %mul3A_1668 = arith.mulf %exp3A_1666, %get3A_1664 : vector<128x128xf32>
    %add3A_1669 = arith.addf %add3A_1661, %mul3A_1668 : vector<128x128xf32>
    %get3A_1670 = arith.constant 0 : index
    %get3A_1671 = arith.constant 14464 : index
    %get3A_1672 = vector.load %arg2[%get3A_1670, %get3A_1671] : memref<128x16000xf32, #tpu.memory_space<vmem>>, vector<128x128xf32>
    %sub3A_1673 = arith.subf %get3A_1672, %max3A_754 : vector<128x128xf32>
    %exp3A_1674 = math.exp %sub3A_1673 : vector<128x128xf32>
    %add3A_1675 = arith.addf %add3A_1667, %exp3A_1674 : vector<128x128xf32>
    %mul3A_1676 = arith.mulf %exp3A_1674, %get3A_1672 : vector<128x128xf32>
    %add3A_1677 = arith.addf %add3A_1669, %mul3A_1676 : vector<128x128xf32>
    %get3A_1678 = arith.constant 0 : index
    %get3A_1679 = arith.constant 14592 : index
    %get3A_1680 = vector.load %arg2[%get3A_1678, %get3A_1679] : memref<128x16000xf32, #tpu.memory_space<vmem>>, vector<128x128xf32>
    %sub3A_1681 = arith.subf %get3A_1680, %max3A_754 : vector<128x128xf32>
    %exp3A_1682 = math.exp %sub3A_1681 : vector<128x128xf32>
    %add3A_1683 = arith.addf %add3A_1675, %exp3A_1682 : vector<128x128xf32>
    %mul3A_1684 = arith.mulf %exp3A_1682, %get3A_1680 : vector<128x128xf32>
    %add3A_1685 = arith.addf %add3A_1677, %mul3A_1684 : vector<128x128xf32>
    %get3A_1686 = arith.constant 0 : index
    %get3A_1687 = arith.constant 14720 : index
    %get3A_1688 = vector.load %arg2[%get3A_1686, %get3A_1687] : memref<128x16000xf32, #tpu.memory_space<vmem>>, vector<128x128xf32>
    %sub3A_1689 = arith.subf %get3A_1688, %max3A_754 : vector<128x128xf32>
    %exp3A_1690 = math.exp %sub3A_1689 : vector<128x128xf32>
    %add3A_1691 = arith.addf %add3A_1683, %exp3A_1690 : vector<128x128xf32>
    %mul3A_1692 = arith.mulf %exp3A_1690, %get3A_1688 : vector<128x128xf32>
    %add3A_1693 = arith.addf %add3A_1685, %mul3A_1692 : vector<128x128xf32>
    %get3A_1694 = arith.constant 0 : index
    %get3A_1695 = arith.constant 14848 : index
    %get3A_1696 = vector.load %arg2[%get3A_1694, %get3A_1695] : memref<128x16000xf32, #tpu.memory_space<vmem>>, vector<128x128xf32>
    %sub3A_1697 = arith.subf %get3A_1696, %max3A_754 : vector<128x128xf32>
    %exp3A_1698 = math.exp %sub3A_1697 : vector<128x128xf32>
    %add3A_1699 = arith.addf %add3A_1691, %exp3A_1698 : vector<128x128xf32>
    %mul3A_1700 = arith.mulf %exp3A_1698, %get3A_1696 : vector<128x128xf32>
    %add3A_1701 = arith.addf %add3A_1693, %mul3A_1700 : vector<128x128xf32>
    %get3A_1702 = arith.constant 0 : index
    %get3A_1703 = arith.constant 14976 : index
    %get3A_1704 = vector.load %arg2[%get3A_1702, %get3A_1703] : memref<128x16000xf32, #tpu.memory_space<vmem>>, vector<128x128xf32>
    %sub3A_1705 = arith.subf %get3A_1704, %max3A_754 : vector<128x128xf32>
    %exp3A_1706 = math.exp %sub3A_1705 : vector<128x128xf32>
    %add3A_1707 = arith.addf %add3A_1699, %exp3A_1706 : vector<128x128xf32>
    %mul3A_1708 = arith.mulf %exp3A_1706, %get3A_1704 : vector<128x128xf32>
    %add3A_1709 = arith.addf %add3A_1701, %mul3A_1708 : vector<128x128xf32>
    %get3A_1710 = arith.constant 0 : index
    %get3A_1711 = arith.constant 15104 : index
    %get3A_1712 = vector.load %arg2[%get3A_1710, %get3A_1711] : memref<128x16000xf32, #tpu.memory_space<vmem>>, vector<128x128xf32>
    %sub3A_1713 = arith.subf %get3A_1712, %max3A_754 : vector<128x128xf32>
    %exp3A_1714 = math.exp %sub3A_1713 : vector<128x128xf32>
    %add3A_1715 = arith.addf %add3A_1707, %exp3A_1714 : vector<128x128xf32>
    %mul3A_1716 = arith.mulf %exp3A_1714, %get3A_1712 : vector<128x128xf32>
    %add3A_1717 = arith.addf %add3A_1709, %mul3A_1716 : vector<128x128xf32>
    %get3A_1718 = arith.constant 0 : index
    %get3A_1719 = arith.constant 15232 : index
    %get3A_1720 = vector.load %arg2[%get3A_1718, %get3A_1719] : memref<128x16000xf32, #tpu.memory_space<vmem>>, vector<128x128xf32>
    %sub3A_1721 = arith.subf %get3A_1720, %max3A_754 : vector<128x128xf32>
    %exp3A_1722 = math.exp %sub3A_1721 : vector<128x128xf32>
    %add3A_1723 = arith.addf %add3A_1715, %exp3A_1722 : vector<128x128xf32>
    %mul3A_1724 = arith.mulf %exp3A_1722, %get3A_1720 : vector<128x128xf32>
    %add3A_1725 = arith.addf %add3A_1717, %mul3A_1724 : vector<128x128xf32>
    %get3A_1726 = arith.constant 0 : index
    %get3A_1727 = arith.constant 15360 : index
    %get3A_1728 = vector.load %arg2[%get3A_1726, %get3A_1727] : memref<128x16000xf32, #tpu.memory_space<vmem>>, vector<128x128xf32>
    %sub3A_1729 = arith.subf %get3A_1728, %max3A_754 : vector<128x128xf32>
    %exp3A_1730 = math.exp %sub3A_1729 : vector<128x128xf32>
    %add3A_1731 = arith.addf %add3A_1723, %exp3A_1730 : vector<128x128xf32>
    %mul3A_1732 = arith.mulf %exp3A_1730, %get3A_1728 : vector<128x128xf32>
    %add3A_1733 = arith.addf %add3A_1725, %mul3A_1732 : vector<128x128xf32>
    %get3A_1734 = arith.constant 0 : index
    %get3A_1735 = arith.constant 15488 : index
    %get3A_1736 = vector.load %arg2[%get3A_1734, %get3A_1735] : memref<128x16000xf32, #tpu.memory_space<vmem>>, vector<128x128xf32>
    %sub3A_1737 = arith.subf %get3A_1736, %max3A_754 : vector<128x128xf32>
    %exp3A_1738 = math.exp %sub3A_1737 : vector<128x128xf32>
    %add3A_1739 = arith.addf %add3A_1731, %exp3A_1738 : vector<128x128xf32>
    %mul3A_1740 = arith.mulf %exp3A_1738, %get3A_1736 : vector<128x128xf32>
    %add3A_1741 = arith.addf %add3A_1733, %mul3A_1740 : vector<128x128xf32>
    %get3A_1742 = arith.constant 0 : index
    %get3A_1743 = arith.constant 15616 : index
    %get3A_1744 = vector.load %arg2[%get3A_1742, %get3A_1743] : memref<128x16000xf32, #tpu.memory_space<vmem>>, vector<128x128xf32>
    %sub3A_1745 = arith.subf %get3A_1744, %max3A_754 : vector<128x128xf32>
    %exp3A_1746 = math.exp %sub3A_1745 : vector<128x128xf32>
    %add3A_1747 = arith.addf %add3A_1739, %exp3A_1746 : vector<128x128xf32>
    %mul3A_1748 = arith.mulf %exp3A_1746, %get3A_1744 : vector<128x128xf32>
    %add3A_1749 = arith.addf %add3A_1741, %mul3A_1748 : vector<128x128xf32>
    %get3A_1750 = arith.constant 0 : index
    %get3A_1751 = arith.constant 15744 : index
    %get3A_1752 = vector.load %arg2[%get3A_1750, %get3A_1751] : memref<128x16000xf32, #tpu.memory_space<vmem>>, vector<128x128xf32>
    %sub3A_1753 = arith.subf %get3A_1752, %max3A_754 : vector<128x128xf32>
    %exp3A_1754 = math.exp %sub3A_1753 : vector<128x128xf32>
    %add3A_1755 = arith.addf %add3A_1747, %exp3A_1754 : vector<128x128xf32>
    %mul3A_1756 = arith.mulf %exp3A_1754, %get3A_1752 : vector<128x128xf32>
    %add3A_1757 = arith.addf %add3A_1749, %mul3A_1756 : vector<128x128xf32>
    %get3A_1758 = arith.constant 0 : index
    %get3A_1759 = arith.constant 15872 : index
    %get3A_1760 = vector.load %arg2[%get3A_1758, %get3A_1759] : memref<128x16000xf32, #tpu.memory_space<vmem>>, vector<128x128xf32>
    %sub3A_1761 = arith.subf %get3A_1760, %max3A_754 : vector<128x128xf32>
    %exp3A_1762 = math.exp %sub3A_1761 : vector<128x128xf32>
    %add3A_1763 = arith.addf %add3A_1755, %exp3A_1762 : vector<128x128xf32>
    %mul3A_1764 = arith.mulf %exp3A_1762, %get3A_1760 : vector<128x128xf32>
    %add3A_1765 = arith.addf %add3A_1757, %mul3A_1764 : vector<128x128xf32>
    %swap3A_1766 = arith.constant 0 : index
    %swap3A_1767 = arith.constant 0 : index
    %swap3A_1768 = vector.load %arg8[%swap3A_1766, %swap3A_1767] : memref<128x128xf32, #tpu.memory_space<vmem>>, vector<128x128xf32>
    tpu.vector_store %arg8[%swap3A_1766, %swap3A_1767], %add3A_1763 {strides = array<i32>} : memref<128x128xf32, #tpu.memory_space<vmem>>, vector<128x128xf32>,
    %swap3A_1769 = arith.constant 0 : index
    %swap3A_1770 = arith.constant 0 : index
    %swap3A_1771 = vector.load %arg9[%swap3A_1769, %swap3A_1770] : memref<128x128xf32, #tpu.memory_space<vmem>>, vector<128x128xf32>
    tpu.vector_store %arg9[%swap3A_1769, %swap3A_1770], %add3A_1765 {strides = array<i32>} : memref<128x128xf32, #tpu.memory_space<vmem>>, vector<128x128xf32>,
    %eq3A_1772 = arith.constant 1 : i32
    %eq3A_1773 = arith.cmpi eq, %arg1, %eq3A_1772 : i32
    %convert_element_type3A_1774 = arith.extui %eq3A_1773 : i1 to i32
    %cond3A_1775 = arith.constant 0 : i32
    %cond3A_1776 = arith.cmpi ne, %convert_element_type3A_1774, %cond3A_1775 : i32
    scf.if %cond3A_1776 {
      %reduce_max3A = arith.constant dense<0xFF800000> : vector<128xf32>
      %reduce_max3A_1777 = vector.multi_reduction <maximumf>, %max3A_754, %reduce_max3A [1] : vector<128x128xf32> to vector<128xf32>
      %broadcast_in_dim3A = vector.shape_cast %reduce_max3A_1777 : vector<128xf32> to vector<128x1xf32>
      %eq3A_1778 = vector.broadcast %broadcast_in_dim3A : vector<128x1xf32> to vector<128x128xf32>
      %eq3A_1779 = arith.cmpf oeq, %max3A_754, %eq3A_1778 : vector<128x128xf32>
      %convert_element_type3A_1780 = arith.extui %eq3A_1779 : vector<128x128xi1> to vector<128x128xi32>
      %convert_element_type3A_1781 = arith.sitofp %convert_element_type3A_1780 : vector<128x128xi32> to vector<128x128xf32>
      %reduce_sum3A = arith.constant dense<0.000000e+00> : vector<128xf32>
      %reduce_sum3A_1782 = vector.multi_reduction <add>, %convert_element_type3A_1781, %reduce_sum3A [1] : vector<128x128xf32> to vector<128xf32>
      %broadcast_in_dim3A_1783 = vector.shape_cast %reduce_sum3A_1782 : vector<128xf32> to vector<128x1xf32>
      %jit3A = arith.constant -3.400000e+38 : f32
      %broadcast_in_dim3A_1784 = vector.broadcast %jit3A : f32 to vector<128x128xf32>
      %select_n3A = arith.select %eq3A_1779, %broadcast_in_dim3A_1784, %max3A_754 : vector<128x128xi1>, vector<128x128xf32>
      %reduce_max3A_1785 = arith.constant dense<0xFF800000> : vector<128xf32>
      %reduce_max3A_1786 = vector.multi_reduction <maximumf>, %select_n3A, %reduce_max3A_1785 [1] : vector<128x128xf32> to vector<128xf32>
      %broadcast_in_dim3A_1787 = vector.shape_cast %reduce_max3A_1786 : vector<128xf32> to vector<128x1xf32>
      %gt3A = arith.constant 1.000000e+00 : f32
      %gt3A_1788 = vector.broadcast %gt3A : f32 to vector<128x1xf32>
      %gt3A_1789 = arith.cmpf ogt, %broadcast_in_dim3A_1783, %gt3A_1788 : vector<128x1xf32>
      %select_n3A_1790 = arith.select %gt3A_1789, %broadcast_in_dim3A, %broadcast_in_dim3A_1787 : vector<128x1xi1>, vector<128x1xf32>
      %reduce_max3A_1791 = arith.constant dense<0xFF800000> : vector<128xf32>
      %reduce_max3A_1792 = vector.multi_reduction <maximumf>, %max3A_753, %reduce_max3A_1791 [1] : vector<128x128xf32> to vector<128xf32>
      %broadcast_in_dim3A_1793 = vector.shape_cast %reduce_max3A_1792 : vector<128xf32> to vector<128x1xf32>
      %max3A_1794 = arith.maximumf %broadcast_in_dim3A_1793, %select_n3A_1790 : vector<128x1xf32>
      %sub3A_1795 = vector.broadcast %broadcast_in_dim3A : vector<128x1xf32> to vector<128x128xf32>
      %sub3A_1796 = arith.subf %max3A_754, %sub3A_1795 : vector<128x128xf32>
      %exp3A_1797 = math.exp %sub3A_1796 : vector<128x128xf32>
      %mul3A_1798 = arith.mulf %add3A_1763, %exp3A_1797 : vector<128x128xf32>
      %reduce_sum3A_1799 = arith.constant dense<0.000000e+00> : vector<128xf32>
      %reduce_sum3A_1800 = vector.multi_reduction <add>, %mul3A_1798, %reduce_sum3A_1799 [1] : vector<128x128xf32> to vector<128xf32>
      %broadcast_in_dim3A_1801 = vector.shape_cast %reduce_sum3A_1800 : vector<128xf32> to vector<128x1xf32>
      %mul3A_1802 = arith.mulf %add3A_1765, %exp3A_1797 : vector<128x128xf32>
      %reduce_sum3A_1803 = arith.constant dense<0.000000e+00> : vector<128xf32>
      %reduce_sum3A_1804 = vector.multi_reduction <add>, %mul3A_1802, %reduce_sum3A_1803 [1] : vector<128x128xf32> to vector<128xf32>
      %broadcast_in_dim3A_1805 = vector.shape_cast %reduce_sum3A_1804 : vector<128xf32> to vector<128x1xf32>
      %log3A = math.log %broadcast_in_dim3A_1801 : vector<128x1xf32>
      %add3A_1806 = arith.addf %broadcast_in_dim3A, %log3A : vector<128x1xf32>
      %div3A = arith.divf %broadcast_in_dim3A_1805, %broadcast_in_dim3A_1801 : vector<128x1xf32>
      %sub3A_1807 = arith.subf %add3A_1806, %div3A : vector<128x1xf32>
      %sub3A_1808 = arith.subf %broadcast_in_dim3A, %add3A_1806 : vector<128x1xf32>
      %exp3A_1809 = math.exp %sub3A_1808 : vector<128x1xf32>
      %sub3A_1810 = arith.subf %max3A_1794, %add3A_1806 : vector<128x1xf32>
      %exp3A_1811 = math.exp %sub3A_1810 : vector<128x1xf32>
      %div3A_1812 = arith.constant 10.3734913 : f32
      %div3A_1813 = vector.broadcast %div3A_1812 : f32 to vector<128x1xf32>
      %div3A_1814 = arith.divf %sub3A_1807, %div3A_1813 : vector<128x1xf32>
      %sub3A_1815 = arith.subf %exp3A_1809, %exp3A_1811 : vector<128x1xf32>
      %sub3A_1816 = arith.constant 1.000000e+00 : f32
      %sub3A_1817 = vector.broadcast %sub3A_1816 : f32 to vector<128x1xf32>
      %sub3A_1818 = arith.subf %sub3A_1817, %sub3A_1815 : vector<128x1xf32>
      %add3A_1819 = arith.addf %div3A_1814, %sub3A_1818 : vector<128x1xf32>
      %add3A_1820 = arith.addf %add3A_1819, %add3A_1806 : vector<128x1xf32>
      %squeeze3A = vector.shape_cast %add3A_1820 : vector<128x1xf32> to vector<128xf32>
      %swap3A_1821 = arith.constant 0 : index
      %swap3A_1822 = arith.constant 0 : index
      %swap3A_1823 = arith.constant 0 : index
      %swap3A_1824 = vector.load %arg3[%swap3A_1821, %swap3A_1822, %swap3A_1823] : memref<1x1x128xf32, #tpu.memory_space<vmem>>, vector<1x1x128xf32>
      %swap3A_1825 = vector.shape_cast %swap3A_1824 : vector<1x1x128xf32> to vector<128xf32>
      %swap3A_1826 = vector.shape_cast %squeeze3A : vector<128xf32> to vector<1x1x128xf32>
      tpu.vector_store %arg3[%swap3A_1821, %swap3A_1822, %swap3A_1823], %swap3A_1826 {strides = array<i32>} : memref<1x1x128xf32, #tpu.memory_space<vmem>>, vector<1x1x128xf32>,
      %squeeze3A_1827 = vector.shape_cast %add3A_1806 : vector<128x1xf32> to vector<128xf32>
      %swap3A_1828 = arith.constant 0 : index
      %swap3A_1829 = arith.constant 0 : index
      %swap3A_1830 = arith.constant 0 : index
      %swap3A_1831 = vector.load %arg4[%swap3A_1828, %swap3A_1829, %swap3A_1830] : memref<1x1x128xf32, #tpu.memory_space<vmem>>, vector<1x1x128xf32>
      %swap3A_1832 = vector.shape_cast %swap3A_1831 : vector<1x1x128xf32> to vector<128xf32>
      %swap3A_1833 = vector.shape_cast %squeeze3A_1827 : vector<128xf32> to vector<1x1x128xf32>
      tpu.vector_store %arg4[%swap3A_1828, %swap3A_1829, %swap3A_1830], %swap3A_1833 {strides = array<i32>} : memref<1x1x128xf32, #tpu.memory_space<vmem>>, vector<1x1x128xf32>,
      %squeeze3A_1834 = vector.shape_cast %exp3A_1809 : vector<128x1xf32> to vector<128xf32>
      %swap3A_1835 = arith.constant 0 : index
      %swap3A_1836 = arith.constant 0 : index
      %swap3A_1837 = arith.constant 0 : index
      %swap3A_1838 = vector.load %arg5[%swap3A_1835, %swap3A_1836, %swap3A_1837] : memref<1x1x128xf32, #tpu.memory_space<vmem>>, vector<1x1x128xf32>
      %swap3A_1839 = vector.shape_cast %swap3A_1838 : vector<1x1x128xf32> to vector<128xf32>
      %swap3A_1840 = vector.shape_cast %squeeze3A_1834 : vector<128xf32> to vector<1x1x128xf32>
      tpu.vector_store %arg5[%swap3A_1835, %swap3A_1836, %swap3A_1837], %swap3A_1840 {strides = array<i32>} : memref<1x1x128xf32, #tpu.memory_space<vmem>>, vector<1x1x128xf32>,
    } else {
    }
    return
  }
  func.func @transform_0(%arg0: i32, %arg1: i32) -> (i32, i32) {
    %c0_i32 = arith.constant 0 : i32
    return %arg0, %arg1 : i32, i32
  }
  func.func @transform_1(%arg0: i32, %arg1: i32) -> (i32, i32, i32) {
    %c0_i32 = arith.constant 0 : i32
    %c0_i32_0 = arith.constant 0 : i32
    %c0_i32_1 = arith.constant 0 : i32
    return %arg0, %c0_i32, %c0_i32_0 : i32, i32, i32
  }
  func.func @transform_2(%arg0: i32, %arg1: i32) -> (i32, i32, i32) {
    %c0_i32 = arith.constant 0 : i32
    %c0_i32_0 = arith.constant 0 : i32
    %c0_i32_1 = arith.constant 0 : i32
    return %arg0, %c0_i32, %c0_i32_0 : i32, i32, i32
  }
  func.func @transform_3(%arg0: i32, %arg1: i32) -> (i32, i32, i32) {
    %c0_i32 = arith.constant 0 : i32
    %c0_i32_0 = arith.constant 0 : i32
    %c0_i32_1 = arith.constant 0 : i32
    return %arg0, %c0_i32, %c0_i32_0 : i32, i32, i32
  }
}

</mosaic_0001>

<sc_bundles>
// kernel: kernel.5.cloned.1.call-start
scs
__scs_entry_jumppad:
0x0: {  	(pc) =	sbr.rel $0x88, $3  }
0x1: {  	(tag) =	ssettag $0x0;
	lr =	simm.s32 $0x1  }
0x2: {  	[smem:$0x3F9F] =	sst lr;
	_ =	strace $0xD0000000  }
0x3: {  	_ = 	snop  }
0x4: {  	_ = 	snop  }
0x5: {  	_ = 	snop  }
0x6: {  	_ = 	snop  }
0x7: {  	_ = 	snop  }
__scs_overlays_trampoline_lowered:
0x8: {  	[smem:$0x3FAE] =	sst s0  }
0x9: {  	[smem:$0x3FAF] =	sst s1  }
0xa: {  	[smem:$0x3FB0] =	sst s2  }
0xb: {  	[smem:$0x3FB1] =	sst s3  }
0xc: {  	[smem:$0x3FB2] =	sst s4  }
0xd: {  	[smem:$0x3FB3] =	sst s5  }
0xe: {  	[smem:$0x3FB4] =	sst s6  }
0xf: {  	[smem:$0x3FB5] =	sst s7  }
0x10: {  	[smem:$0x3FB6] =	sst s8  }
0x11: {  	[smem:$0x3FB7] =	sst s9;
	s0 =	simm.s32 @!p0 $0x0  }
0x12: {  	s1 =	sld [smem:$0x3F9D];
	s0 =	simm.s32 @p0 $0x1  }
0x13: {  	[smem:$0x3FB8] =	sst s0;
	s0 =	simm.s32 @!p1 $0x0  }
0x14: {  	s2 =	sld [smem:$0x3F9C];
	s0 =	simm.s32 @p1 $0x1  }
0x15: {  	[smem:$0x3FB9] =	sst s0;
	s0 =	simm.s32 @!p2 $0x0  }
0x16: {  	s3 =	sld [smem:$0x3FDB];
	s0 =	simm.s32 @p2 $0x1  }
0x17: {  	s4 =	simm.s32 $0x1BF5;
	[smem:$0x3FBB] =	sst s0  }
0x18: {  	s0 =	sld [smem:$0x3F9E];
	_ =	swait.ge [sflag:s4], $0x0  }
0x19: {  	s7 =	sld [smem:$0x3F9F]  }
0x1a: {  	s8 =	sadd.s32 $0xFFFFE003, lr  }
0x1b: {  	s9 =	sadd.s32 $0xFFFFFEF7, lr;
	s5 =	simm.s32 $0xFFFFFFFF;
	p2 =	slt.u32 s8, $0xFFFFF086  }
0x1c: {  	p1 =	slt.u32 s9, $0xF7A;
	s5 =	simm.s32 @!p2 $0x0  }
0x1d: {  	s5 =	simm.s32 @p1 $0x1;
	p0 =	seq.s32 s7, s2  }
0x1e: {  	s7 =	smul.u32 @!p0 $0xF7A, s2;
	p2 =	seq.s32 @!p0 s5, $0x0  }
0x1f: {  	s9 =	smul.u32 $0xF7A, s1;
	s8 =	simm.s32 @!p0 $0x1BF5;
	p2 =	por !p2, p0  }
0x20: {  	[sflag:s8] =	ssyncset.s32 @!p0 $0xFFFFF086;
	s6 =	sadd.s32 @!p0 s3, s7;
	s7 =	simm.s32 @!p0 $0x108  }
0x21: {  	s3 =	sadd.s32 s3, s9;
	s6 =	sadd.s32 @!p0 $0x88, s6;
	s7 =	simm.s32 @p2 $0x1082  }
0x22: {  	[simem:s7], [sflag:s8] =	dma.local @!p0 [hbm:s6], $0xF7A  }
0x23: {  	s9 =	sor.u32 $0xD0000000, s2;
	s6 =	simm.s32 $0x108;
	_ =	swait.ge @!p0 [sflag:s8], $0x0  }
0x24: {  	s3 =	sadd.s32 $0x88, s3;
	s6 =	simm.s32 @!p1 $0x1082;
	[sflag:s4] =	ssyncset.s32 $0xFFFFF086  }
0x25: {  	[simem:s6], [sflag:s4] =	dma.local [hbm:s3], $0xF7A  }
0x26: {  	[smem:$0x3F9F] =	sst s1;
	(tag) =	ssettag s2;
	_ =	strace s9  }
0x27: {  	s1 =	sld [smem:$0x3FAF]  }
0x28: {  	s2 =	sld [smem:$0x3FB0]  }
0x29: {  	s4 =	sld [smem:$0x3FB2]  }
0x2a: {  	p0 =	seq.s32 s5, $0x0;
	s5 =	sld [smem:$0x3FB3]  }
0x2b: {  	s6 =	sld [smem:$0x3FB4]  }
0x2c: {  	s7 =	sld [smem:$0x3FB5]  }
0x2d: {  	s3 =	simm.s32 $0x108;
	s8 =	sld [smem:$0x3FB6]  }
0x2e: {  	s3 =	simm.s32 @!p0 $0x1082;
	s9 =	sld [smem:$0x3FB7]  }
0x2f: {  	lr =	sadd.s32 s0, s3;
	s0 =	sld [smem:$0x3FAE]  }
0x30: {  	s3 =	sld [smem:$0x3FB1]  }
0x31: {  	[smem:$0x3FBA] =	sst s10  }
0x32: {  	s10 =	sld [smem:$0x3FB8];
	_ =	sdelay $0x3  }
0x33: {  	p0 =	seq.s32 s10, $0x1;
	s10 =	sld [smem:$0x3FBA];
	_ =	sdelay $0x3  }
0x34: {  	[smem:$0x3FBA] =	sst s10  }
0x35: {  	s10 =	sld [smem:$0x3FB9];
	_ =	sdelay $0x3  }
0x36: {  	p1 =	seq.s32 s10, $0x1;
	s10 =	sld [smem:$0x3FBA];
	_ =	sdelay $0x3  }
0x37: {  	[smem:$0x3FBA] =	sst s10  }
0x38: {  	s10 =	sld [smem:$0x3FBB]  }
0x39: {  	_ = 	snop;
	(pc) =	sbr.ind lr, $3  }
0x3a: {  	_ = 	snop  }
0x3b: {  	_ = 	snop  }
0x3c: {  	p2 =	seq.s32 s10, $0x1;
	s10 =	sld [smem:$0x3FBA]  }
0x3d: {  	_ =	shalt  }
0x3e: {  	_ =	shalt  }
0x3f: {  	_ =	shalt  }
0x40: {  	_ =	shalt  }
0x41: {  	_ =	shalt  }
0x42: {  	_ =	shalt  }
0x43: {  	_ =	shalt  }
0x44: {  	_ =	shalt  }
0x45: {  	_ =	shalt  }
0x46: {  	_ =	shalt  }
0x47: {  	_ =	shalt  }
0x48: {  	_ =	shalt  }
0x49: {  	_ =	shalt  }
0x4a: {  	_ =	shalt  }
0x4b: {  	_ =	shalt  }
0x4c: {  	_ =	shalt  }
0x4d: {  	_ =	shalt  }
0x4e: {  	_ =	shalt  }
0x4f: {  	_ =	shalt  }
0x50: {  	_ =	shalt  }
0x51: {  	_ =	shalt  }
0x52: {  	_ =	shalt  }
0x53: {  	_ =	shalt  }
0x54: {  	_ =	shalt  }
0x55: {  	_ =	shalt  }
0x56: {  	_ =	shalt  }
0x57: {  	_ =	shalt  }
0x58: {  	_ =	shalt  }
0x59: {  	_ =	shalt  }
0x5a: {  	_ =	shalt  }
0x5b: {  	_ =	shalt  }
0x5c: {  	_ =	shalt  }
0x5d: {  	_ =	shalt  }
0x5e: {  	_ =	shalt  }
0x5f: {  	_ =	shalt  }
0x60: {  	_ =	shalt  }
0x61: {  	_ =	shalt  }
0x62: {  	_ =	shalt  }
0x63: {  	_ =	shalt  }
0x64: {  	_ =	shalt  }
0x65: {  	_ =	shalt  }
0x66: {  	_ =	shalt  }
0x67: {  	_ =	shalt  }
0x68: {  	_ =	shalt  }
0x69: {  	_ =	shalt  }
0x6a: {  	_ =	shalt  }
0x6b: {  	_ =	shalt  }
0x6c: {  	_ =	shalt  }
0x6d: {  	_ =	shalt  }
0x6e: {  	_ =	shalt  }
0x6f: {  	_ =	shalt  }
0x70: {  	_ =	shalt  }
0x71: {  	_ =	shalt  }
0x72: {  	_ =	shalt  }
0x73: {  	_ =	shalt  }
0x74: {  	_ =	shalt  }
0x75: {  	_ =	shalt  }
0x76: {  	_ =	shalt  }
0x77: {  	_ =	shalt  }
0x78: {  	_ =	shalt  }
0x79: {  	_ =	shalt  }
0x7a: {  	_ =	shalt  }
0x7b: {  	_ =	shalt  }
0x7c: {  	_ =	shalt  }
0x7d: {  	_ =	shalt  }
0x7e: {  	_ =	shalt  }
0x7f: {  	_ =	shalt  }
0x80: {  	_ =	shalt  }
0x81: {  	_ =	shalt  }
0x82: {  	_ =	shalt  }
0x83: {  	_ =	shalt  }
0x84: {  	_ =	shalt  }
0x85: {  	_ =	shalt  }
0x86: {  	_ =	shalt  }
0x87: {  	_ =	shalt  }
.Lfunc_end0:
.L_simem_size_0:
called_computation_lowered:
.L_overlay_start_0:
0x88: {  	s2 =	sld [smem:$0x3FD9]  }
0x89: {  	s3 =	sld [smem:$0x3FFE];
	_ =	sdelay $0x1  }
0x8a: {  	s1 =	srdreg.scid  }
0x8b: {  	s0 =	sand.u32 $0x1, s1  }
0x8c: {  	s16 =	sshll.u32 s0, $0xA;
	s2 =	sadd.s32 s3, s2  }
0x8d: {  	s2 =	sadd.s32 s2, s16  }
0x8e: {  	[smem:$0x3FC6] =	sst s2  }
0x8f: {  	_ = 	snop  }
0x90: {  	(tm) =	ssettm $0x1  }
0x91: {  	s17 =	sld [smem:$0x3FFB];
	_ =	sdelay $0x3  }
0x92: {  	_ =	strace s17  }
0x93: {  	s2 =	sld [smem:$0x3FFC];
	_ =	sdelay $0x3  }
0x94: {  	_ =	strace s2  }
0x95: {  	s2 =	sld [smem:$0x3FFD];
	_ =	sdelay $0x3  }
0x96: {  	_ =	strace s2  }
0x97: {  	_ =	strace $0x8FFFFFFF  }
0x98: {  	s18 =	sld [smem:$0x3FDB];
	_ =	sdelay $0x1  }
0x99: {  	s19 =	simm.s32 $_scs_section_size  }
0x9a: {  	s4 =	simm.s32 $_size__tile_overlayer_lowered;
	s5 =	simm.s32 $_tile_overlayer_lowered  }
0x9b: {  	s22 =	simm.s32 $0x1BFF;
	s21 =	sshll.u32 s5, $0x1;
	s2 =	sadd.s32 s19, s18  }
0x9c: {  	s6 =	simm.s32 $0x0;
	s20 =	sshll.u32 s4, $0x1;
	s4 =	sadd.s32 s21, s2  }
0x9d: {  	[timem:s6], [sflag:s22] =	dma.local [hbm:s4], s20  }
0x9e: {  	_ =	swait.ge [sflag:s22], s20  }
0x9f: {  	s3 =	ssub.s32 $0x0, s20;
	[sflag:s22] =	ssyncset.done $0x0  }
0xa0: {  	[sflag:s22] =	ssyncadd.s32 s3;
	_ =	sdelay $0x1  }
0xa1: {  	s23 =	simm.s32 $0x1B8B  }
0xa2: {  	_ =	swait.ge [sflag:s23], $0x1  }
0xa3: {  	[sflag:s23] =	ssyncset.done $0x0  }
0xa4: {  	s25 =	simm.s32 $0x1B8E;
	s24 =	sld [smem:$0x3FFE];
	[sflag:s23] =	ssyncadd.s32 $0xFFFFFFFF  }
0xa5: {  	s26 =	simm.s32 $execute0_lowered;
	[smem:$0x3FD2] =	sst s25  }
0xa6: {  	s4 =	sshll.u32 s26, $0x1;
	_ =	strace $0x80000046;
	[dreg:$0x1] =	wrdreg $0xFFFFFFFF  }
0xa7: {  	s28 =	simm.s32 $_size_execute0_lowered;
	s2 =	sadd.s32 s2, s4;
	[dreg:$0x0] =	wrdreg $0x0  }
0xa8: {  	s4 =	sshll.u32 s28, $0x1;
	[dreg:$0x2] =	wrdreg s2  }
0xa9: {  	[dreg:$0x3] =	wrdreg s4  }
0xaa: {  	[dreg:$0x4] =	wrdreg $0xC0  }
0xab: {  	_ =	task [dreg:s6], $0x5FFFF  }
0xac: {  	[dreg:$0x1] =	wrdreg $0xFFFFFFFF  }
0xad: {  	[dreg:$0x0] =	wrdreg $0x60  }
0xae: {  	[dreg:$0x2] =	wrdreg s24  }
0xaf: {  	[dreg:$0x3] =	wrdreg $0x9  }
0xb0: {  	_ =	task.clear_ibuf [dreg:s6], $0x4FFFF;
	_ =	strace $0x90000046  }
0xb1: {  	s29 =	simm.s32 $0x9;
	_ =	strace $0x80000048  }
0xb2: {  	_ =	swait.ge [sflag:s29], $0x1  }
0xb3: {  	[sflag:s29] =	ssyncadd.s32 $0xFFFFFFFF  }
0xb4: {  	_ =	strace $0x90000048  }
0xb5: {  	_ =	sfence  }
0xb6: {  	s30 =	sld [smem:$0x0];
	_ =	sdelay $0x2  }
0xb7: {  	s31 =	sshll.u32 s1, $0xD;
	s1 =	sshrl.u32 s1, $0x2  }
0xb8: {  	s3 =	sand.u32 $0x4000, s31;
	s1 =	sadd.s32 s1, s30  }
0xb9: {  	s0 =	sor.u32 s3, s0;
	s1 =	sshll.u32 s1, $0x11  }
0xba: {  	s0 =	sor.u32 s1, s0  }
0xbb: {  	s0 =	sadd.s32 $0x8F2B, s0  }
0xbc: {  	[sflag:s0] =	ssyncadd.remote.s32 $0x1  }
0xbd: {  	_ =	sfence.sel $0xFFFF  }
0xbe: {  	[dreg:$0x0] =	wrdreg $0xFFFFFFFF;
	(pc) =	sbr.abs _section_cstart, $3  }
0xbf: {  	[dreg:$0x1] =	wrdreg $0xFFFFFFFF  }
0xc0: {  	_ =	task.clear_ibuf [dreg:s6], $0x2FFFF;
	_ =	strace $0x9FFFFFFF  }
0xc1: {  	(tm) =	ssettm $0x7FFFFFFF  }
tec
execute0_lowered:
.L_overlay_start_1:
0x0: {  	(tag) =	ssettag $0x1  }
0x1: {  	s1 =	srdreg.scid  }
0x2: {  	s0 =	stileid.u32;
	s5 =	rddreg [dreg:$0x0];
	s6 =	sand.u32 $0x1, s1  }
0x3: {  	s2 =	simm.s32 $0x0;
	s3 =	sshll.u32 s0, $0x5;
	s4 =	sshll.u32 s6, $0x4  }
0x4: {  	[smem:$0x7FF] =	sst s2;
	s3 =	sor.u32 s4, s3  }
0x5: {  	s1 =	rddreg [dreg:$0x1];
	_ =	strace $0x80000047;
	s8 =	sadd.s32 s3, s5  }
0x6: {  	s9 =	ssub.s32 $0x2, s6;
	s3 =	simm.s32 $0x2;
	s4 =	sadd.s32 $0x800, s8  }
0x7: {  	[tilespmem:s2], [sflag:$0x2] =	stream.linear.gather [hbm4b:s4+s2], $0x80, $0x38;
	[tilespmem:$0x100] =	vst v63  }
0x8: {  	s7 =	simm.s32 $0x1;
	s10 =	sshrl.u32 s9, $0x1;
	_ =	swait.ge [sflag:s3], $0x80  }
0x9: {  	s6 =	simm.s32 $0x80;
	s9 =	ssub.s32 s9, s10;
	[sflag:s3] =	ssyncset.done $0x0  }
0xa: {  	s5 =	sadd.s32 $0xA00, s5;
	s9 =	smax.u32 s9, $0x1;
	[sflag:s3] =	ssyncadd.s32 $0xFFFFFF80  }
0xb: {  	[tilespmem:s6], [sflag:$0x1] =	stream.indirect.gather [hbm4b:s5+s6], $0x1, s2, s6, $0xb8;
	[tilespmem:$0x100] =	vst v63  }
0xc: {  	p0 =	sne.s32 s9, $0x1;
	_ =	swait.ge [sflag:s7], $0x80  }
.Ltmp0:
0xd: {  	[sflag:s7] =	ssyncset.done $0x0;
	(pc) =	sbr.rel @!p0 .LBB2_2-.Ltmp0, $4  }
0xe: {  	s8 =	sadd.s32 $0xFA0A00, s8;
	[sflag:s7] =	ssyncadd.s32 $0xFFFFFF80  }
0xf: {  	[hbm4b:s8+s2] =	stream.linear.scatter [tilespmem:s6], [sflag:$0x2], $0x80, $0x38;
	[tilespmem:$0x100] =	vst v63  }
0x10: {  	_ =	swait.ge [sflag:s3], $0x80  }
0x11: {  	s9 =	sadd.s32 $0xFFFFFFFF, s9;
	[sflag:s3] =	ssyncset.done $0x0  }
.LBB2_1:
0x12: {  	p0 =	sne.s32 s9, $0x1;
	s9 =	sadd.s32 $0xFFFFFFFF, s9;
	[sflag:s3] =	ssyncadd.s32 $0xFFFFFF80  }
0x13: {  	[tilespmem:s2], [sflag:$0x2] =	stream.linear.gather [hbm4b:s4+s2], $0x80, $0x38;
	[tilespmem:$0x100] =	vst v63  }
0x14: {  	_ =	swait.ge [sflag:s3], $0x80  }
0x15: {  	[sflag:s3] =	ssyncset.done $0x0  }
0x16: {  	[sflag:s3] =	ssyncadd.s32 $0xFFFFFF80  }
0x17: {  	[tilespmem:s6], [sflag:$0x1] =	stream.indirect.gather [hbm4b:s5+s6], $0x1, s2, s6, $0xb8;
	[tilespmem:$0x100] =	vst v63  }
0x18: {  	_ =	swait.ge [sflag:s7], $0x80  }
.Ltmp1:
0x19: {  	[sflag:s7] =	ssyncset.done $0x0;
	(pc) =	sbr.rel @p0 .LBB2_1-.Ltmp1, $4  }
0x1a: {  	[sflag:s7] =	ssyncadd.s32 $0xFFFFFF80  }
0x1b: {  	[hbm4b:s8+s2] =	stream.linear.scatter [tilespmem:s6], [sflag:$0x2], $0x80, $0x38;
	[tilespmem:$0x100] =	vst v63  }
0x1c: {  	_ =	swait.ge [sflag:s3], $0x80  }
0x1d: {  	[sflag:s3] =	ssyncset.done $0x0  }
.LBB2_2:
0x1e: {  	[sflag:s3] =	ssyncadd.s32 $0xFFFFFF80  }
0x1f: {  	_ =	sfence.sel $0x180000  }
0x20: {  	[bflag:$0x0] =	sbarrier.arrive $0xFFFF  }
0x21: {  	p0 =	sne.s32 s0, $0x0;
	_ =	strace $0x90000047  }
0x22: {  	s0 =	sadd.s32 @!p0 $0x100000, s1;
	[bflag:$0x2] =	sbarrier.arrive $0xFFFF  }
0x23: {  	[sflag:s0] =	ssyncadd.tile.s32 @!p0 $0x1;
	_ =	shalt  }
.Lfunc_end2:
_tile_overlayer_lowered:
.L_overlay_start_2:
0x24: {  	(tag) =	ssettag $0x2  }
0x25: {  	s0 =	rddreg [dreg:$0x0];
	s2 =	stileid.u32  }
0x26: {  	s1 =	rddreg [dreg:$0x1];
	p0 =	sne.s32 s2, $0x0  }
0x27: {  	s3 =	rddreg [dreg:$0x2];
	[bflag:$0x3] =	sbarrier.arrive $0xFFFF;
	s2 =	simm.s32 @!p0 $0x1C02  }
0x28: {  	[timem:s3], [sflag:s2] =	dma.local @!p0 [hbm:s0], s1  }
0x29: {  	s0 =	simm.s32 @!p0 $0x2  }
0x2a: {  	_ =	swait.ge @!p0 [sflag:s0], s1  }
0x2b: {  	s1 =	ssub.s32 @!p0 $0x0, s1;
	[sflag:s0] =	ssyncset.done @!p0 $0x0  }
0x2c: {  	[sflag:s0] =	ssyncadd.s32 @!p0 s1  }
0x2d: {  	[bflag:$0x3] =	sbarrier.arrive $0xFFFF  }
0x2e: {  	_ =	shalt  }

</sc_bundles>
